<compile_context>
chip_gen: v7x
topology: tpu7x:2x2x1
jax: 0.10.2.dev20260603
libtpu: 0.0.44.dev20260713+nightly
codegen_flags: <defaults>
</compile_context>

<pallas_src>
import functools
import jax
import jax.numpy as jnp
from jax import lax
from jax.experimental import pallas as pl
from jax.experimental.pallas import tpu as pltpu
from jax.experimental.pallas import tpu_sc as plsc

_N = 4096
_NC = 2
_NS = 16
_NW = _NC * _NS
_ROWS_PER_W = _N // _NW
_BROWS = 4
_CHUNK = _BROWS * _N
_NCHUNK = _ROWS_PER_W // _BROWS
_NBUF = 4


def _sc_outer_sum(x_hbm, out_hbm, x_v, buf_v, sem):
    wid = lax.axis_index("s") * _NC + lax.axis_index("c")
    base_row = wid * _ROWS_PER_W
    pltpu.sync_copy(x_hbm.at[0], x_v)

    def compute_chunk(g, b):
        rchunk = x_v[pl.ds(base_row + 16 * g, 16)]
        rvecs = []
        for r in range(_BROWS):
            rvecs.append(jnp.full((16,), rchunk[_BROWS * b + r] + 1.0,
                                  jnp.float32))

        @plsc.parallel_loop(0, _N, step=16, unroll=8)
        def j_body(j):
            xc = x_v[pl.ds(j, 16)]
            for r in range(_BROWS):
                buf_v[b, pl.ds(r * _N + j, 16)] = xc + rvecs[r]

    def store_chunk(c, b):
        start = (base_row + c * _BROWS) * _N
        return pltpu.make_async_copy(
            buf_v.at[b], out_hbm.at[0, pl.ds(start, _CHUNK)], sem)

    def outer_body(g, _):
        for b in range(_NBUF):
            c = g * _NBUF + b

            @pl.when(c >= _NBUF)
            def _wait():
                store_chunk(c, b).wait()

            compute_chunk(g, b)
            store_chunk(c, b).start()
        return 0

    lax.fori_loop(0, _NCHUNK // _NBUF, outer_body, 0)
    for b in range(_NBUF):
        store_chunk(_NCHUNK - _NBUF + b, b).wait()


def kernel(x_leaves):
    n = x_leaves.shape[1]
    mesh = plsc.VectorSubcoreMesh(core_axis_name="c", subcore_axis_name="s")
    run = functools.partial(
        pl.kernel,
        mesh=mesh,
        out_type=jax.ShapeDtypeStruct((1, n * n), jnp.float32),
        scratch_types=[
            pltpu.VMEM((n,), jnp.float32),
            pltpu.VMEM((_NBUF, _CHUNK), jnp.float32),
            pltpu.SemaphoreType.DMA,
        ],
    )(_sc_outer_sum)
    return run(x_leaves)

# --- scband reference (transcript-rebuilt; emitter-appended) ---
"""Pipeline reference for scband-can-count-leave-operator-37993280700433 (READ-ONLY COPY).

The authoritative reference and input builder live on the scoring server;
editing this copy changes nothing except your own understanding.
"""

import jax, jax.numpy as jnp
import numpy as np


def setup_inputs(seed: int = 0) -> dict:
    key = jax.random.key(seed)
    x_leaves = jax.random.normal(key, (1, 4096), dtype=jnp.float32)
    return {"x_leaves": x_leaves}


def reference(x_leaves):
    # CanCountLeaveOperator.count_leave with is_unary=False, is_directed=True:
    #   deno = x.reshape(1, 1, -1); num = x.reshape(1, -1, 1)
    #   out = (num + deno).reshape(1, -1) + 1
    deno = x_leaves.reshape(1, 1, -1)
    num = x_leaves.reshape(1, -1, 1)
    out = num + deno
    out = out.reshape(1, -1)
    return out + 1

if __name__ == "__main__":
    import jax
    _d = setup_inputs()
    print(jax.jit(kernel)(*tuple(_d.values())))

</pallas_src>

<mosaic_0001>
#map = affine_map<(d0, d1) -> (0, 0)>
module attributes {stable_mosaic.version = 14 : i64} {
  func.func @_sc_outer_sum(%arg0: i32, %arg1: i32, %arg2: memref<1x4096xf32, #tpu.memory_space<hbm>>, %arg3: memref<1x16777216xf32, #tpu.memory_space<hbm>>, %arg4: memref<4096xf32, #tpu.memory_space<vmem>>, %arg5: memref<4x16384xf32, #tpu.memory_space<vmem>>, %arg6: memref<!tpu.dma_semaphore, #tpu.memory_space<semaphore_mem>>) attributes {dimension_semantics = [#tpu.dimension_semantics<core_parallel>, #tpu.dimension_semantics<subcore_parallel>], iteration_bounds = array<i64: 2, 16>, scalar_prefetch = 0 : i64, scratch_operands = 3 : i64, tpu.core_type = #tpu.core_type<sc_vector_subcore>, window_params = [{transform_indices = #map}, {transform_indices = #map}]} {
    %mul3A = arith.constant 2 : i32
    %mul3A_0 = arith.muli %arg1, %mul3A : i32
    %add3A = arith.addi %mul3A_0, %arg0 : i32
    %mul3A_1 = arith.constant 128 : i32
    %mul3A_2 = arith.muli %add3A, %mul3A_1 : i32
    %run_scoped3A = arith.constant 0 : i32
    "tpu.region"() ({
      %run_scoped3A_72 = tpu.sem_alloc : memref<!tpu.dma_semaphore, #tpu.memory_space<semaphore_mem>>
      %dma_start3A = arith.constant 0 : i32
      %dma_start3A_73 = tpu.memref_slice %arg2[%run_scoped3A, %dma_start3A] : memref<1x4096xf32, #tpu.memory_space<hbm>> -> memref<1x4096xf32, #tpu.memory_space<hbm>>
      %dma_start3A_74 = tpu.memref_squeeze %dma_start3A_73 : memref<1x4096xf32, #tpu.memory_space<hbm>> -> memref<4096xf32, #tpu.memory_space<hbm>>
      %dma_start3A_75 = arith.constant 0 : i32
      %dma_start3A_76 = tpu.memref_slice %arg2[%run_scoped3A, %dma_start3A_75] : memref<1x4096xf32, #tpu.memory_space<hbm>> -> memref<1x4096xf32, #tpu.memory_space<hbm>>
      %dma_start3A_77 = tpu.memref_squeeze %dma_start3A_76 : memref<1x4096xf32, #tpu.memory_space<hbm>> -> memref<4096xf32, #tpu.memory_space<hbm>>
      tpu.enqueue_dma source(%dma_start3A_77 : memref<4096xf32, #tpu.memory_space<hbm>>) target(%arg4 : memref<4096xf32, #tpu.memory_space<vmem>>) target_semaphore(%run_scoped3A_72 : memref<!tpu.dma_semaphore, #tpu.memory_space<semaphore_mem>>)
      %dma_wait3A_78 = arith.constant 0 : i32
      %dma_wait3A_79 = tpu.memref_slice %arg2[%run_scoped3A, %dma_wait3A_78] : memref<1x4096xf32, #tpu.memory_space<hbm>> -> memref<1x4096xf32, #tpu.memory_space<hbm>>
      %dma_wait3A_80 = tpu.memref_squeeze %dma_wait3A_79 : memref<1x4096xf32, #tpu.memory_space<hbm>> -> memref<4096xf32, #tpu.memory_space<hbm>>
      %dma_wait3A_81 = arith.constant 0 : i32
      %dma_wait3A_82 = tpu.memref_slice %arg2[%run_scoped3A, %dma_wait3A_81] : memref<1x4096xf32, #tpu.memory_space<hbm>> -> memref<1x4096xf32, #tpu.memory_space<hbm>>
      %dma_wait3A_83 = tpu.memref_squeeze %dma_wait3A_82 : memref<1x4096xf32, #tpu.memory_space<hbm>> -> memref<4096xf32, #tpu.memory_space<hbm>>
      tpu.wait_dma2 semaphore(%run_scoped3A_72 : memref<!tpu.dma_semaphore, #tpu.memory_space<semaphore_mem>>) src(%dma_wait3A_83 : memref<4096xf32, #tpu.memory_space<hbm>>) dst(%arg4 : memref<4096xf32, #tpu.memory_space<vmem>>)
      tpu.yield
    }) : () -> ()
    %scan3A = arith.constant 0 : i32
    %scan3A_3 = arith.constant 0 : i32
    %scan3A_4 = arith.constant 8 : i32
    %scan3A_5 = arith.addi %scan3A_3, %scan3A_4 : i32
    %scan3A_6 = arith.constant 1 : i32
    %scan3A_7 = scf.for %scan3A_72 = %scan3A_3 to %scan3A_5 step %scan3A_6 iter_args(%scan3A_73 = %scan3A) -> (i32)  : i32 {
      %mul3A_74 = arith.constant 4 : i32
      %mul3A_75 = arith.muli %scan3A_72, %mul3A_74 : i32
      %add3A_76 = arith.constant 0 : i32
      %add3A_77 = arith.addi %mul3A_75, %add3A_76 : i32
      %ge3A = arith.constant 4 : i32
      %ge3A_78 = arith.cmpi sge, %add3A_77, %ge3A : i32
      %convert_element_type3A = arith.extui %ge3A_78 : i1 to i32
      %cond3A = arith.constant 0 : i32
      %cond3A_79 = arith.cmpi ne, %convert_element_type3A, %cond3A : i32
      scf.if %cond3A_79 {
        %mul3A_286 = arith.constant 4 : i32
        %mul3A_287 = arith.muli %add3A_77, %mul3A_286 : i32
        %add3A_288 = arith.addi %mul3A_2, %mul3A_287 : i32
        %mul3A_289 = arith.constant 4096 : i32
        %mul3A_290 = arith.muli %add3A_288, %mul3A_289 : i32
        %dma_wait3A_291 = arith.constant 0 : i32
        %dma_wait3A_292 = arith.constant 0 : i32
        %dma_wait3A_293 = arith.constant 0 : i32
        %dma_wait3A_294 = tpu.memref_slice %arg5[%dma_wait3A_291, %dma_wait3A_293] : memref<4x16384xf32, #tpu.memory_space<vmem>> -> memref<1x16384xf32, #tpu.memory_space<vmem>>
        %dma_wait3A_295 = tpu.memref_squeeze %dma_wait3A_294 : memref<1x16384xf32, #tpu.memory_space<vmem>> -> memref<16384xf32, #tpu.memory_space<vmem>>
        %dma_wait3A_296 = tpu.memref_slice %arg3[%dma_wait3A_292, %mul3A_290] : memref<1x16777216xf32, #tpu.memory_space<hbm>> -> memref<1x16384xf32, #tpu.memory_space<hbm>>
        %dma_wait3A_297 = tpu.memref_squeeze %dma_wait3A_296 : memref<1x16384xf32, #tpu.memory_space<hbm>> -> memref<16384xf32, #tpu.memory_space<hbm>>
        %dma_wait3A_298 = tpu.memref_slice %arg3[%dma_wait3A_292, %mul3A_290] : memref<1x16777216xf32, #tpu.memory_space<hbm>> -> memref<1x16384xf32, #tpu.memory_space<hbm>>
        %dma_wait3A_299 = tpu.memref_squeeze %dma_wait3A_298 : memref<1x16384xf32, #tpu.memory_space<hbm>> -> memref<16384xf32, #tpu.memory_space<hbm>>
        %dma_wait3A_300 = arith.constant 0 : i32
        %dma_wait3A_301 = tpu.memref_slice %arg5[%dma_wait3A_291, %dma_wait3A_300] : memref<4x16384xf32, #tpu.memory_space<vmem>> -> memref<1x16384xf32, #tpu.memory_space<vmem>>
        %dma_wait3A_302 = tpu.memref_squeeze %dma_wait3A_301 : memref<1x16384xf32, #tpu.memory_space<vmem>> -> memref<16384xf32, #tpu.memory_space<vmem>>
        tpu.wait_dma2 semaphore(%arg6 : memref<!tpu.dma_semaphore, #tpu.memory_space<semaphore_mem>>) src(%dma_wait3A_302 : memref<16384xf32, #tpu.memory_space<vmem>>) dst(%dma_wait3A_299 : memref<16384xf32, #tpu.memory_space<hbm>>)
      } else {
      }
      %mul3A_80 = arith.constant 16 : i32
      %mul3A_81 = arith.muli %mul3A_80, %scan3A_72 : i32
      %add3A_82 = arith.addi %mul3A_2, %mul3A_81 : i32
      %get3A = arith.index_cast %add3A_82 : i32 to index
      %get3A_83 = tpu.vector_load %arg4[%get3A] {strides = array<i32>} : memref<4096xf32, #tpu.memory_space<vmem>>, vector<16xf32>,
      %get3A_84 = vector.shape_cast %get3A_83 : vector<16xf32> to vector<16xf32>
      %slice3A = vector.extract_strided_slice %get3A_84 {offsets = [0], sizes = [1], strides = [1]} : vector<16xf32> to vector<1xf32>
      %squeeze3A = vector.extract %slice3A[0] : f32 from vector<1xf32>
      %add3A_85 = arith.constant 1.000000e+00 : f32
      %add3A_86 = arith.addf %squeeze3A, %add3A_85 : f32
      %broadcast_in_dim3A = vector.broadcast %add3A_86 : f32 to vector<16xf32>
      %slice3A_87 = vector.extract_strided_slice %get3A_84 {offsets = [1], sizes = [1], strides = [1]} : vector<16xf32> to vector<1xf32>
      %squeeze3A_88 = vector.extract %slice3A_87[0] : f32 from vector<1xf32>
      %add3A_89 = arith.constant 1.000000e+00 : f32
      %add3A_90 = arith.addf %squeeze3A_88, %add3A_89 : f32
      %broadcast_in_dim3A_91 = vector.broadcast %add3A_90 : f32 to vector<16xf32>
      %slice3A_92 = vector.extract_strided_slice %get3A_84 {offsets = [2], sizes = [1], strides = [1]} : vector<16xf32> to vector<1xf32>
      %squeeze3A_93 = vector.extract %slice3A_92[0] : f32 from vector<1xf32>
      %add3A_94 = arith.constant 1.000000e+00 : f32
      %add3A_95 = arith.addf %squeeze3A_93, %add3A_94 : f32
      %broadcast_in_dim3A_96 = vector.broadcast %add3A_95 : f32 to vector<16xf32>
      %slice3A_97 = vector.extract_strided_slice %get3A_84 {offsets = [3], sizes = [1], strides = [1]} : vector<16xf32> to vector<1xf32>
      %squeeze3A_98 = vector.extract %slice3A_97[0] : f32 from vector<1xf32>
      %add3A_99 = arith.constant 1.000000e+00 : f32
      %add3A_100 = arith.addf %squeeze3A_98, %add3A_99 : f32
      %broadcast_in_dim3A_101 = vector.broadcast %add3A_100 : f32 to vector<16xf32>
      %parallel_loop3A = arith.constant 0 : i32
      %parallel_loop3A_102 = arith.constant 4096 : i32
      %parallel_loop3A_103 = arith.constant 16 : i32
      scf.for %parallel_loop3A_286 = %parallel_loop3A to %parallel_loop3A_102 step %parallel_loop3A_103  : i32 {
        %parallel_loop3A_287 = arith.index_cast %parallel_loop3A_286 : i32 to index
        %parallel_loop3A_288 = tpu.vector_load %arg4[%parallel_loop3A_287] {strides = array<i32>} : memref<4096xf32, #tpu.memory_space<vmem>>, vector<16xf32>,
        %parallel_loop3A_289 = vector.shape_cast %parallel_loop3A_288 : vector<16xf32> to vector<16xf32>
        %parallel_loop3A_290 = arith.addf %parallel_loop3A_289, %broadcast_in_dim3A : vector<16xf32>
        %parallel_loop3A_291 = arith.constant 0 : i32
        %parallel_loop3A_292 = arith.addi %parallel_loop3A_291, %parallel_loop3A_286 : i32
        %parallel_loop3A_293 = arith.constant 0 : i32
        %parallel_loop3A_294 = arith.index_cast %parallel_loop3A_293 : i32 to index
        %parallel_loop3A_295 = arith.index_cast %parallel_loop3A_292 : i32 to index
        %parallel_loop3A_296 = tpu.vector_load %arg5[%parallel_loop3A_294, %parallel_loop3A_295] {strides = array<i32>} : memref<4x16384xf32, #tpu.memory_space<vmem>>, vector<1x16xf32>,
        %parallel_loop3A_297 = vector.shape_cast %parallel_loop3A_296 : vector<1x16xf32> to vector<16xf32>
        %parallel_loop3A_298 = vector.shape_cast %parallel_loop3A_290 : vector<16xf32> to vector<1x16xf32>
        tpu.vector_store %arg5[%parallel_loop3A_294, %parallel_loop3A_295], %parallel_loop3A_298 {strides = array<i32>} : memref<4x16384xf32, #tpu.memory_space<vmem>>, vector<1x16xf32>,
        %parallel_loop3A_299 = arith.addf %parallel_loop3A_289, %broadcast_in_dim3A_91 : vector<16xf32>
        %parallel_loop3A_300 = arith.constant 4096 : i32
        %parallel_loop3A_301 = arith.addi %parallel_loop3A_300, %parallel_loop3A_286 : i32
        %parallel_loop3A_302 = arith.constant 0 : i32
        %parallel_loop3A_303 = arith.index_cast %parallel_loop3A_302 : i32 to index
        %parallel_loop3A_304 = arith.index_cast %parallel_loop3A_301 : i32 to index
        %parallel_loop3A_305 = tpu.vector_load %arg5[%parallel_loop3A_303, %parallel_loop3A_304] {strides = array<i32>} : memref<4x16384xf32, #tpu.memory_space<vmem>>, vector<1x16xf32>,
        %parallel_loop3A_306 = vector.shape_cast %parallel_loop3A_305 : vector<1x16xf32> to vector<16xf32>
        %parallel_loop3A_307 = vector.shape_cast %parallel_loop3A_299 : vector<16xf32> to vector<1x16xf32>
        tpu.vector_store %arg5[%parallel_loop3A_303, %parallel_loop3A_304], %parallel_loop3A_307 {strides = array<i32>} : memref<4x16384xf32, #tpu.memory_space<vmem>>, vector<1x16xf32>,
        %parallel_loop3A_308 = arith.addf %parallel_loop3A_289, %broadcast_in_dim3A_96 : vector<16xf32>
        %parallel_loop3A_309 = arith.constant 8192 : i32
        %parallel_loop3A_310 = arith.addi %parallel_loop3A_309, %parallel_loop3A_286 : i32
        %parallel_loop3A_311 = arith.constant 0 : i32
        %parallel_loop3A_312 = arith.index_cast %parallel_loop3A_311 : i32 to index
        %parallel_loop3A_313 = arith.index_cast %parallel_loop3A_310 : i32 to index
        %parallel_loop3A_314 = tpu.vector_load %arg5[%parallel_loop3A_312, %parallel_loop3A_313] {strides = array<i32>} : memref<4x16384xf32, #tpu.memory_space<vmem>>, vector<1x16xf32>,
        %parallel_loop3A_315 = vector.shape_cast %parallel_loop3A_314 : vector<1x16xf32> to vector<16xf32>
        %parallel_loop3A_316 = vector.shape_cast %parallel_loop3A_308 : vector<16xf32> to vector<1x16xf32>
        tpu.vector_store %arg5[%parallel_loop3A_312, %parallel_loop3A_313], %parallel_loop3A_316 {strides = array<i32>} : memref<4x16384xf32, #tpu.memory_space<vmem>>, vector<1x16xf32>,
        %parallel_loop3A_317 = arith.addf %parallel_loop3A_289, %broadcast_in_dim3A_101 : vector<16xf32>
        %parallel_loop3A_318 = arith.constant 12288 : i32
        %parallel_loop3A_319 = arith.addi %parallel_loop3A_318, %parallel_loop3A_286 : i32
        %parallel_loop3A_320 = arith.constant 0 : i32
        %parallel_loop3A_321 = arith.index_cast %parallel_loop3A_320 : i32 to index
        %parallel_loop3A_322 = arith.index_cast %parallel_loop3A_319 : i32 to index
        %parallel_loop3A_323 = tpu.vector_load %arg5[%parallel_loop3A_321, %parallel_loop3A_322] {strides = array<i32>} : memref<4x16384xf32, #tpu.memory_space<vmem>>, vector<1x16xf32>,
        %parallel_loop3A_324 = vector.shape_cast %parallel_loop3A_323 : vector<1x16xf32> to vector<16xf32>
        %parallel_loop3A_325 = vector.shape_cast %parallel_loop3A_317 : vector<16xf32> to vector<1x16xf32>
        tpu.vector_store %arg5[%parallel_loop3A_321, %parallel_loop3A_322], %parallel_loop3A_325 {strides = array<i32>} : memref<4x16384xf32, #tpu.memory_space<vmem>>, vector<1x16xf32>,
      } {sc.loop_unroll_factor = 8 : i64, sc.parallel_access}
      %mul3A_104 = arith.constant 4 : i32
      %mul3A_105 = arith.muli %add3A_77, %mul3A_104 : i32
      %add3A_106 = arith.addi %mul3A_2, %mul3A_105 : i32
      %mul3A_107 = arith.constant 4096 : i32
      %mul3A_108 = arith.muli %add3A_106, %mul3A_107 : i32
      %dma_start3A = arith.constant 0 : i32
      %dma_start3A_109 = arith.constant 0 : i32
      %dma_start3A_110 = arith.constant 0 : i32
      %dma_start3A_111 = tpu.memref_slice %arg5[%dma_start3A, %dma_start3A_110] : memref<4x16384xf32, #tpu.memory_space<vmem>> -> memref<1x16384xf32, #tpu.memory_space<vmem>>
      %dma_start3A_112 = tpu.memref_squeeze %dma_start3A_111 : memref<1x16384xf32, #tpu.memory_space<vmem>> -> memref<16384xf32, #tpu.memory_space<vmem>>
      %dma_start3A_113 = tpu.memref_slice %arg3[%dma_start3A_109, %mul3A_108] : memref<1x16777216xf32, #tpu.memory_space<hbm>> -> memref<1x16384xf32, #tpu.memory_space<hbm>>
      %dma_start3A_114 = tpu.memref_squeeze %dma_start3A_113 : memref<1x16384xf32, #tpu.memory_space<hbm>> -> memref<16384xf32, #tpu.memory_space<hbm>>
      %dma_start3A_115 = tpu.memref_slice %arg3[%dma_start3A_109, %mul3A_108] : memref<1x16777216xf32, #tpu.memory_space<hbm>> -> memref<1x16384xf32, #tpu.memory_space<hbm>>
      %dma_start3A_116 = tpu.memref_squeeze %dma_start3A_115 : memref<1x16384xf32, #tpu.memory_space<hbm>> -> memref<16384xf32, #tpu.memory_space<hbm>>
      %dma_start3A_117 = arith.constant 0 : i32
      %dma_start3A_118 = tpu.memref_slice %arg5[%dma_start3A, %dma_start3A_117] : memref<4x16384xf32, #tpu.memory_space<vmem>> -> memref<1x16384xf32, #tpu.memory_space<vmem>>
      %dma_start3A_119 = tpu.memref_squeeze %dma_start3A_118 : memref<1x16384xf32, #tpu.memory_space<vmem>> -> memref<16384xf32, #tpu.memory_space<vmem>>
      tpu.enqueue_dma source(%dma_start3A_119 : memref<16384xf32, #tpu.memory_space<vmem>>) target(%dma_start3A_116 : memref<16384xf32, #tpu.memory_space<hbm>>) target_semaphore(%arg6 : memref<!tpu.dma_semaphore, #tpu.memory_space<semaphore_mem>>)
      %mul3A_120 = arith.constant 4 : i32
      %mul3A_121 = arith.muli %scan3A_72, %mul3A_120 : i32
      %add3A_122 = arith.constant 1 : i32
      %add3A_123 = arith.addi %mul3A_121, %add3A_122 : i32
      %ge3A_124 = arith.constant 4 : i32
      %ge3A_125 = arith.cmpi sge, %add3A_123, %ge3A_124 : i32
      %convert_element_type3A_126 = arith.extui %ge3A_125 : i1 to i32
      %cond3A_127 = arith.constant 0 : i32
      %cond3A_128 = arith.cmpi ne, %convert_element_type3A_126, %cond3A_127 : i32
      scf.if %cond3A_128 {
        %mul3A_286 = arith.constant 4 : i32
        %mul3A_287 = arith.muli %add3A_123, %mul3A_286 : i32
        %add3A_288 = arith.addi %mul3A_2, %mul3A_287 : i32
        %mul3A_289 = arith.constant 4096 : i32
        %mul3A_290 = arith.muli %add3A_288, %mul3A_289 : i32
        %dma_wait3A_291 = arith.constant 1 : i32
        %dma_wait3A_292 = arith.constant 0 : i32
        %dma_wait3A_293 = arith.constant 0 : i32
        %dma_wait3A_294 = tpu.memref_slice %arg5[%dma_wait3A_291, %dma_wait3A_293] : memref<4x16384xf32, #tpu.memory_space<vmem>> -> memref<1x16384xf32, #tpu.memory_space<vmem>>
        %dma_wait3A_295 = tpu.memref_squeeze %dma_wait3A_294 : memref<1x16384xf32, #tpu.memory_space<vmem>> -> memref<16384xf32, #tpu.memory_space<vmem>>
        %dma_wait3A_296 = tpu.memref_slice %arg3[%dma_wait3A_292, %mul3A_290] : memref<1x16777216xf32, #tpu.memory_space<hbm>> -> memref<1x16384xf32, #tpu.memory_space<hbm>>
        %dma_wait3A_297 = tpu.memref_squeeze %dma_wait3A_296 : memref<1x16384xf32, #tpu.memory_space<hbm>> -> memref<16384xf32, #tpu.memory_space<hbm>>
        %dma_wait3A_298 = tpu.memref_slice %arg3[%dma_wait3A_292, %mul3A_290] : memref<1x16777216xf32, #tpu.memory_space<hbm>> -> memref<1x16384xf32, #tpu.memory_space<hbm>>
        %dma_wait3A_299 = tpu.memref_squeeze %dma_wait3A_298 : memref<1x16384xf32, #tpu.memory_space<hbm>> -> memref<16384xf32, #tpu.memory_space<hbm>>
        %dma_wait3A_300 = arith.constant 0 : i32
        %dma_wait3A_301 = tpu.memref_slice %arg5[%dma_wait3A_291, %dma_wait3A_300] : memref<4x16384xf32, #tpu.memory_space<vmem>> -> memref<1x16384xf32, #tpu.memory_space<vmem>>
        %dma_wait3A_302 = tpu.memref_squeeze %dma_wait3A_301 : memref<1x16384xf32, #tpu.memory_space<vmem>> -> memref<16384xf32, #tpu.memory_space<vmem>>
        tpu.wait_dma2 semaphore(%arg6 : memref<!tpu.dma_semaphore, #tpu.memory_space<semaphore_mem>>) src(%dma_wait3A_302 : memref<16384xf32, #tpu.memory_space<vmem>>) dst(%dma_wait3A_299 : memref<16384xf32, #tpu.memory_space<hbm>>)
      } else {
      }
      %mul3A_129 = arith.constant 16 : i32
      %mul3A_130 = arith.muli %mul3A_129, %scan3A_72 : i32
      %add3A_131 = arith.addi %mul3A_2, %mul3A_130 : i32
      %get3A_132 = arith.index_cast %add3A_131 : i32 to index
      %get3A_133 = tpu.vector_load %arg4[%get3A_132] {strides = array<i32>} : memref<4096xf32, #tpu.memory_space<vmem>>, vector<16xf32>,
      %get3A_134 = vector.shape_cast %get3A_133 : vector<16xf32> to vector<16xf32>
      %slice3A_135 = vector.extract_strided_slice %get3A_134 {offsets = [4], sizes = [1], strides = [1]} : vector<16xf32> to vector<1xf32>
      %squeeze3A_136 = vector.extract %slice3A_135[0] : f32 from vector<1xf32>
      %add3A_137 = arith.constant 1.000000e+00 : f32
      %add3A_138 = arith.addf %squeeze3A_136, %add3A_137 : f32
      %broadcast_in_dim3A_139 = vector.broadcast %add3A_138 : f32 to vector<16xf32>
      %slice3A_140 = vector.extract_strided_slice %get3A_134 {offsets = [5], sizes = [1], strides = [1]} : vector<16xf32> to vector<1xf32>
      %squeeze3A_141 = vector.extract %slice3A_140[0] : f32 from vector<1xf32>
      %add3A_142 = arith.constant 1.000000e+00 : f32
      %add3A_143 = arith.addf %squeeze3A_141, %add3A_142 : f32
      %broadcast_in_dim3A_144 = vector.broadcast %add3A_143 : f32 to vector<16xf32>
      %slice3A_145 = vector.extract_strided_slice %get3A_134 {offsets = [6], sizes = [1], strides = [1]} : vector<16xf32> to vector<1xf32>
      %squeeze3A_146 = vector.extract %slice3A_145[0] : f32 from vector<1xf32>
      %add3A_147 = arith.constant 1.000000e+00 : f32
      %add3A_148 = arith.addf %squeeze3A_146, %add3A_147 : f32
      %broadcast_in_dim3A_149 = vector.broadcast %add3A_148 : f32 to vector<16xf32>
      %slice3A_150 = vector.extract_strided_slice %get3A_134 {offsets = [7], sizes = [1], strides = [1]} : vector<16xf32> to vector<1xf32>
      %squeeze3A_151 = vector.extract %slice3A_150[0] : f32 from vector<1xf32>
      %add3A_152 = arith.constant 1.000000e+00 : f32
      %add3A_153 = arith.addf %squeeze3A_151, %add3A_152 : f32
      %broadcast_in_dim3A_154 = vector.broadcast %add3A_153 : f32 to vector<16xf32>
      %parallel_loop3A_155 = arith.constant 0 : i32
      %parallel_loop3A_156 = arith.constant 4096 : i32
      %parallel_loop3A_157 = arith.constant 16 : i32
      scf.for %parallel_loop3A_286 = %parallel_loop3A_155 to %parallel_loop3A_156 step %parallel_loop3A_157  : i32 {
        %parallel_loop3A_287 = arith.index_cast %parallel_loop3A_286 : i32 to index
        %parallel_loop3A_288 = tpu.vector_load %arg4[%parallel_loop3A_287] {strides = array<i32>} : memref<4096xf32, #tpu.memory_space<vmem>>, vector<16xf32>,
        %parallel_loop3A_289 = vector.shape_cast %parallel_loop3A_288 : vector<16xf32> to vector<16xf32>
        %parallel_loop3A_290 = arith.addf %parallel_loop3A_289, %broadcast_in_dim3A_139 : vector<16xf32>
        %parallel_loop3A_291 = arith.constant 0 : i32
        %parallel_loop3A_292 = arith.addi %parallel_loop3A_291, %parallel_loop3A_286 : i32
        %parallel_loop3A_293 = arith.constant 1 : i32
        %parallel_loop3A_294 = arith.index_cast %parallel_loop3A_293 : i32 to index
        %parallel_loop3A_295 = arith.index_cast %parallel_loop3A_292 : i32 to index
        %parallel_loop3A_296 = tpu.vector_load %arg5[%parallel_loop3A_294, %parallel_loop3A_295] {strides = array<i32>} : memref<4x16384xf32, #tpu.memory_space<vmem>>, vector<1x16xf32>,
        %parallel_loop3A_297 = vector.shape_cast %parallel_loop3A_296 : vector<1x16xf32> to vector<16xf32>
        %parallel_loop3A_298 = vector.shape_cast %parallel_loop3A_290 : vector<16xf32> to vector<1x16xf32>
        tpu.vector_store %arg5[%parallel_loop3A_294, %parallel_loop3A_295], %parallel_loop3A_298 {strides = array<i32>} : memref<4x16384xf32, #tpu.memory_space<vmem>>, vector<1x16xf32>,
        %parallel_loop3A_299 = arith.addf %parallel_loop3A_289, %broadcast_in_dim3A_144 : vector<16xf32>
        %parallel_loop3A_300 = arith.constant 4096 : i32
        %parallel_loop3A_301 = arith.addi %parallel_loop3A_300, %parallel_loop3A_286 : i32
        %parallel_loop3A_302 = arith.constant 1 : i32
        %parallel_loop3A_303 = arith.index_cast %parallel_loop3A_302 : i32 to index
        %parallel_loop3A_304 = arith.index_cast %parallel_loop3A_301 : i32 to index
        %parallel_loop3A_305 = tpu.vector_load %arg5[%parallel_loop3A_303, %parallel_loop3A_304] {strides = array<i32>} : memref<4x16384xf32, #tpu.memory_space<vmem>>, vector<1x16xf32>,
        %parallel_loop3A_306 = vector.shape_cast %parallel_loop3A_305 : vector<1x16xf32> to vector<16xf32>
        %parallel_loop3A_307 = vector.shape_cast %parallel_loop3A_299 : vector<16xf32> to vector<1x16xf32>
        tpu.vector_store %arg5[%parallel_loop3A_303, %parallel_loop3A_304], %parallel_loop3A_307 {strides = array<i32>} : memref<4x16384xf32, #tpu.memory_space<vmem>>, vector<1x16xf32>,
        %parallel_loop3A_308 = arith.addf %parallel_loop3A_289, %broadcast_in_dim3A_149 : vector<16xf32>
        %parallel_loop3A_309 = arith.constant 8192 : i32
        %parallel_loop3A_310 = arith.addi %parallel_loop3A_309, %parallel_loop3A_286 : i32
        %parallel_loop3A_311 = arith.constant 1 : i32
        %parallel_loop3A_312 = arith.index_cast %parallel_loop3A_311 : i32 to index
        %parallel_loop3A_313 = arith.index_cast %parallel_loop3A_310 : i32 to index
        %parallel_loop3A_314 = tpu.vector_load %arg5[%parallel_loop3A_312, %parallel_loop3A_313] {strides = array<i32>} : memref<4x16384xf32, #tpu.memory_space<vmem>>, vector<1x16xf32>,
        %parallel_loop3A_315 = vector.shape_cast %parallel_loop3A_314 : vector<1x16xf32> to vector<16xf32>
        %parallel_loop3A_316 = vector.shape_cast %parallel_loop3A_308 : vector<16xf32> to vector<1x16xf32>
        tpu.vector_store %arg5[%parallel_loop3A_312, %parallel_loop3A_313], %parallel_loop3A_316 {strides = array<i32>} : memref<4x16384xf32, #tpu.memory_space<vmem>>, vector<1x16xf32>,
        %parallel_loop3A_317 = arith.addf %parallel_loop3A_289, %broadcast_in_dim3A_154 : vector<16xf32>
        %parallel_loop3A_318 = arith.constant 12288 : i32
        %parallel_loop3A_319 = arith.addi %parallel_loop3A_318, %parallel_loop3A_286 : i32
        %parallel_loop3A_320 = arith.constant 1 : i32
        %parallel_loop3A_321 = arith.index_cast %parallel_loop3A_320 : i32 to index
        %parallel_loop3A_322 = arith.index_cast %parallel_loop3A_319 : i32 to index
        %parallel_loop3A_323 = tpu.vector_load %arg5[%parallel_loop3A_321, %parallel_loop3A_322] {strides = array<i32>} : memref<4x16384xf32, #tpu.memory_space<vmem>>, vector<1x16xf32>,
        %parallel_loop3A_324 = vector.shape_cast %parallel_loop3A_323 : vector<1x16xf32> to vector<16xf32>
        %parallel_loop3A_325 = vector.shape_cast %parallel_loop3A_317 : vector<16xf32> to vector<1x16xf32>
        tpu.vector_store %arg5[%parallel_loop3A_321, %parallel_loop3A_322], %parallel_loop3A_325 {strides = array<i32>} : memref<4x16384xf32, #tpu.memory_space<vmem>>, vector<1x16xf32>,
      } {sc.loop_unroll_factor = 8 : i64, sc.parallel_access}
      %mul3A_158 = arith.constant 4 : i32
      %mul3A_159 = arith.muli %add3A_123, %mul3A_158 : i32
      %add3A_160 = arith.addi %mul3A_2, %mul3A_159 : i32
      %mul3A_161 = arith.constant 4096 : i32
      %mul3A_162 = arith.muli %add3A_160, %mul3A_161 : i32
      %dma_start3A_163 = arith.constant 1 : i32
      %dma_start3A_164 = arith.constant 0 : i32
      %dma_start3A_165 = arith.constant 0 : i32
      %dma_start3A_166 = tpu.memref_slice %arg5[%dma_start3A_163, %dma_start3A_165] : memref<4x16384xf32, #tpu.memory_space<vmem>> -> memref<1x16384xf32, #tpu.memory_space<vmem>>
      %dma_start3A_167 = tpu.memref_squeeze %dma_start3A_166 : memref<1x16384xf32, #tpu.memory_space<vmem>> -> memref<16384xf32, #tpu.memory_space<vmem>>
      %dma_start3A_168 = tpu.memref_slice %arg3[%dma_start3A_164, %mul3A_162] : memref<1x16777216xf32, #tpu.memory_space<hbm>> -> memref<1x16384xf32, #tpu.memory_space<hbm>>
      %dma_start3A_169 = tpu.memref_squeeze %dma_start3A_168 : memref<1x16384xf32, #tpu.memory_space<hbm>> -> memref<16384xf32, #tpu.memory_space<hbm>>
      %dma_start3A_170 = tpu.memref_slice %arg3[%dma_start3A_164, %mul3A_162] : memref<1x16777216xf32, #tpu.memory_space<hbm>> -> memref<1x16384xf32, #tpu.memory_space<hbm>>
      %dma_start3A_171 = tpu.memref_squeeze %dma_start3A_170 : memref<1x16384xf32, #tpu.memory_space<hbm>> -> memref<16384xf32, #tpu.memory_space<hbm>>
      %dma_start3A_172 = arith.constant 0 : i32
      %dma_start3A_173 = tpu.memref_slice %arg5[%dma_start3A_163, %dma_start3A_172] : memref<4x16384xf32, #tpu.memory_space<vmem>> -> memref<1x16384xf32, #tpu.memory_space<vmem>>
      %dma_start3A_174 = tpu.memref_squeeze %dma_start3A_173 : memref<1x16384xf32, #tpu.memory_space<vmem>> -> memref<16384xf32, #tpu.memory_space<vmem>>
      tpu.enqueue_dma source(%dma_start3A_174 : memref<16384xf32, #tpu.memory_space<vmem>>) target(%dma_start3A_171 : memref<16384xf32, #tpu.memory_space<hbm>>) target_semaphore(%arg6 : memref<!tpu.dma_semaphore, #tpu.memory_space<semaphore_mem>>)
      %mul3A_175 = arith.constant 4 : i32
      %mul3A_176 = arith.muli %scan3A_72, %mul3A_175 : i32
      %add3A_177 = arith.constant 2 : i32
      %add3A_178 = arith.addi %mul3A_176, %add3A_177 : i32
      %ge3A_179 = arith.constant 4 : i32
      %ge3A_180 = arith.cmpi sge, %add3A_178, %ge3A_179 : i32
      %convert_element_type3A_181 = arith.extui %ge3A_180 : i1 to i32
      %cond3A_182 = arith.constant 0 : i32
      %cond3A_183 = arith.cmpi ne, %convert_element_type3A_181, %cond3A_182 : i32
      scf.if %cond3A_183 {
        %mul3A_286 = arith.constant 4 : i32
        %mul3A_287 = arith.muli %add3A_178, %mul3A_286 : i32
        %add3A_288 = arith.addi %mul3A_2, %mul3A_287 : i32
        %mul3A_289 = arith.constant 4096 : i32
        %mul3A_290 = arith.muli %add3A_288, %mul3A_289 : i32
        %dma_wait3A_291 = arith.constant 2 : i32
        %dma_wait3A_292 = arith.constant 0 : i32
        %dma_wait3A_293 = arith.constant 0 : i32
        %dma_wait3A_294 = tpu.memref_slice %arg5[%dma_wait3A_291, %dma_wait3A_293] : memref<4x16384xf32, #tpu.memory_space<vmem>> -> memref<1x16384xf32, #tpu.memory_space<vmem>>
        %dma_wait3A_295 = tpu.memref_squeeze %dma_wait3A_294 : memref<1x16384xf32, #tpu.memory_space<vmem>> -> memref<16384xf32, #tpu.memory_space<vmem>>
        %dma_wait3A_296 = tpu.memref_slice %arg3[%dma_wait3A_292, %mul3A_290] : memref<1x16777216xf32, #tpu.memory_space<hbm>> -> memref<1x16384xf32, #tpu.memory_space<hbm>>
        %dma_wait3A_297 = tpu.memref_squeeze %dma_wait3A_296 : memref<1x16384xf32, #tpu.memory_space<hbm>> -> memref<16384xf32, #tpu.memory_space<hbm>>
        %dma_wait3A_298 = tpu.memref_slice %arg3[%dma_wait3A_292, %mul3A_290] : memref<1x16777216xf32, #tpu.memory_space<hbm>> -> memref<1x16384xf32, #tpu.memory_space<hbm>>
        %dma_wait3A_299 = tpu.memref_squeeze %dma_wait3A_298 : memref<1x16384xf32, #tpu.memory_space<hbm>> -> memref<16384xf32, #tpu.memory_space<hbm>>
        %dma_wait3A_300 = arith.constant 0 : i32
        %dma_wait3A_301 = tpu.memref_slice %arg5[%dma_wait3A_291, %dma_wait3A_300] : memref<4x16384xf32, #tpu.memory_space<vmem>> -> memref<1x16384xf32, #tpu.memory_space<vmem>>
        %dma_wait3A_302 = tpu.memref_squeeze %dma_wait3A_301 : memref<1x16384xf32, #tpu.memory_space<vmem>> -> memref<16384xf32, #tpu.memory_space<vmem>>
        tpu.wait_dma2 semaphore(%arg6 : memref<!tpu.dma_semaphore, #tpu.memory_space<semaphore_mem>>) src(%dma_wait3A_302 : memref<16384xf32, #tpu.memory_space<vmem>>) dst(%dma_wait3A_299 : memref<16384xf32, #tpu.memory_space<hbm>>)
      } else {
      }
      %mul3A_184 = arith.constant 16 : i32
      %mul3A_185 = arith.muli %mul3A_184, %scan3A_72 : i32
      %add3A_186 = arith.addi %mul3A_2, %mul3A_185 : i32
      %get3A_187 = arith.index_cast %add3A_186 : i32 to index
      %get3A_188 = tpu.vector_load %arg4[%get3A_187] {strides = array<i32>} : memref<4096xf32, #tpu.memory_space<vmem>>, vector<16xf32>,
      %get3A_189 = vector.shape_cast %get3A_188 : vector<16xf32> to vector<16xf32>
      %slice3A_190 = vector.extract_strided_slice %get3A_189 {offsets = [8], sizes = [1], strides = [1]} : vector<16xf32> to vector<1xf32>
      %squeeze3A_191 = vector.extract %slice3A_190[0] : f32 from vector<1xf32>
      %add3A_192 = arith.constant 1.000000e+00 : f32
      %add3A_193 = arith.addf %squeeze3A_191, %add3A_192 : f32
      %broadcast_in_dim3A_194 = vector.broadcast %add3A_193 : f32 to vector<16xf32>
      %slice3A_195 = vector.extract_strided_slice %get3A_189 {offsets = [9], sizes = [1], strides = [1]} : vector<16xf32> to vector<1xf32>
      %squeeze3A_196 = vector.extract %slice3A_195[0] : f32 from vector<1xf32>
      %add3A_197 = arith.constant 1.000000e+00 : f32
      %add3A_198 = arith.addf %squeeze3A_196, %add3A_197 : f32
      %broadcast_in_dim3A_199 = vector.broadcast %add3A_198 : f32 to vector<16xf32>
      %slice3A_200 = vector.extract_strided_slice %get3A_189 {offsets = [10], sizes = [1], strides = [1]} : vector<16xf32> to vector<1xf32>
      %squeeze3A_201 = vector.extract %slice3A_200[0] : f32 from vector<1xf32>
      %add3A_202 = arith.constant 1.000000e+00 : f32
      %add3A_203 = arith.addf %squeeze3A_201, %add3A_202 : f32
      %broadcast_in_dim3A_204 = vector.broadcast %add3A_203 : f32 to vector<16xf32>
      %slice3A_205 = vector.extract_strided_slice %get3A_189 {offsets = [11], sizes = [1], strides = [1]} : vector<16xf32> to vector<1xf32>
      %squeeze3A_206 = vector.extract %slice3A_205[0] : f32 from vector<1xf32>
      %add3A_207 = arith.constant 1.000000e+00 : f32
      %add3A_208 = arith.addf %squeeze3A_206, %add3A_207 : f32
      %broadcast_in_dim3A_209 = vector.broadcast %add3A_208 : f32 to vector<16xf32>
      %parallel_loop3A_210 = arith.constant 0 : i32
      %parallel_loop3A_211 = arith.constant 4096 : i32
      %parallel_loop3A_212 = arith.constant 16 : i32
      scf.for %parallel_loop3A_286 = %parallel_loop3A_210 to %parallel_loop3A_211 step %parallel_loop3A_212  : i32 {
        %parallel_loop3A_287 = arith.index_cast %parallel_loop3A_286 : i32 to index
        %parallel_loop3A_288 = tpu.vector_load %arg4[%parallel_loop3A_287] {strides = array<i32>} : memref<4096xf32, #tpu.memory_space<vmem>>, vector<16xf32>,
        %parallel_loop3A_289 = vector.shape_cast %parallel_loop3A_288 : vector<16xf32> to vector<16xf32>
        %parallel_loop3A_290 = arith.addf %parallel_loop3A_289, %broadcast_in_dim3A_194 : vector<16xf32>
        %parallel_loop3A_291 = arith.constant 0 : i32
        %parallel_loop3A_292 = arith.addi %parallel_loop3A_291, %parallel_loop3A_286 : i32
        %parallel_loop3A_293 = arith.constant 2 : i32
        %parallel_loop3A_294 = arith.index_cast %parallel_loop3A_293 : i32 to index
        %parallel_loop3A_295 = arith.index_cast %parallel_loop3A_292 : i32 to index
        %parallel_loop3A_296 = tpu.vector_load %arg5[%parallel_loop3A_294, %parallel_loop3A_295] {strides = array<i32>} : memref<4x16384xf32, #tpu.memory_space<vmem>>, vector<1x16xf32>,
        %parallel_loop3A_297 = vector.shape_cast %parallel_loop3A_296 : vector<1x16xf32> to vector<16xf32>
        %parallel_loop3A_298 = vector.shape_cast %parallel_loop3A_290 : vector<16xf32> to vector<1x16xf32>
        tpu.vector_store %arg5[%parallel_loop3A_294, %parallel_loop3A_295], %parallel_loop3A_298 {strides = array<i32>} : memref<4x16384xf32, #tpu.memory_space<vmem>>, vector<1x16xf32>,
        %parallel_loop3A_299 = arith.addf %parallel_loop3A_289, %broadcast_in_dim3A_199 : vector<16xf32>
        %parallel_loop3A_300 = arith.constant 4096 : i32
        %parallel_loop3A_301 = arith.addi %parallel_loop3A_300, %parallel_loop3A_286 : i32
        %parallel_loop3A_302 = arith.constant 2 : i32
        %parallel_loop3A_303 = arith.index_cast %parallel_loop3A_302 : i32 to index
        %parallel_loop3A_304 = arith.index_cast %parallel_loop3A_301 : i32 to index
        %parallel_loop3A_305 = tpu.vector_load %arg5[%parallel_loop3A_303, %parallel_loop3A_304] {strides = array<i32>} : memref<4x16384xf32, #tpu.memory_space<vmem>>, vector<1x16xf32>,
        %parallel_loop3A_306 = vector.shape_cast %parallel_loop3A_305 : vector<1x16xf32> to vector<16xf32>
        %parallel_loop3A_307 = vector.shape_cast %parallel_loop3A_299 : vector<16xf32> to vector<1x16xf32>
        tpu.vector_store %arg5[%parallel_loop3A_303, %parallel_loop3A_304], %parallel_loop3A_307 {strides = array<i32>} : memref<4x16384xf32, #tpu.memory_space<vmem>>, vector<1x16xf32>,
        %parallel_loop3A_308 = arith.addf %parallel_loop3A_289, %broadcast_in_dim3A_204 : vector<16xf32>
        %parallel_loop3A_309 = arith.constant 8192 : i32
        %parallel_loop3A_310 = arith.addi %parallel_loop3A_309, %parallel_loop3A_286 : i32
        %parallel_loop3A_311 = arith.constant 2 : i32
        %parallel_loop3A_312 = arith.index_cast %parallel_loop3A_311 : i32 to index
        %parallel_loop3A_313 = arith.index_cast %parallel_loop3A_310 : i32 to index
        %parallel_loop3A_314 = tpu.vector_load %arg5[%parallel_loop3A_312, %parallel_loop3A_313] {strides = array<i32>} : memref<4x16384xf32, #tpu.memory_space<vmem>>, vector<1x16xf32>,
        %parallel_loop3A_315 = vector.shape_cast %parallel_loop3A_314 : vector<1x16xf32> to vector<16xf32>
        %parallel_loop3A_316 = vector.shape_cast %parallel_loop3A_308 : vector<16xf32> to vector<1x16xf32>
        tpu.vector_store %arg5[%parallel_loop3A_312, %parallel_loop3A_313], %parallel_loop3A_316 {strides = array<i32>} : memref<4x16384xf32, #tpu.memory_space<vmem>>, vector<1x16xf32>,
        %parallel_loop3A_317 = arith.addf %parallel_loop3A_289, %broadcast_in_dim3A_209 : vector<16xf32>
        %parallel_loop3A_318 = arith.constant 12288 : i32
        %parallel_loop3A_319 = arith.addi %parallel_loop3A_318, %parallel_loop3A_286 : i32
        %parallel_loop3A_320 = arith.constant 2 : i32
        %parallel_loop3A_321 = arith.index_cast %parallel_loop3A_320 : i32 to index
        %parallel_loop3A_322 = arith.index_cast %parallel_loop3A_319 : i32 to index
        %parallel_loop3A_323 = tpu.vector_load %arg5[%parallel_loop3A_321, %parallel_loop3A_322] {strides = array<i32>} : memref<4x16384xf32, #tpu.memory_space<vmem>>, vector<1x16xf32>,
        %parallel_loop3A_324 = vector.shape_cast %parallel_loop3A_323 : vector<1x16xf32> to vector<16xf32>
        %parallel_loop3A_325 = vector.shape_cast %parallel_loop3A_317 : vector<16xf32> to vector<1x16xf32>
        tpu.vector_store %arg5[%parallel_loop3A_321, %parallel_loop3A_322], %parallel_loop3A_325 {strides = array<i32>} : memref<4x16384xf32, #tpu.memory_space<vmem>>, vector<1x16xf32>,
      } {sc.loop_unroll_factor = 8 : i64, sc.parallel_access}
      %mul3A_213 = arith.constant 4 : i32
      %mul3A_214 = arith.muli %add3A_178, %mul3A_213 : i32
      %add3A_215 = arith.addi %mul3A_2, %mul3A_214 : i32
      %mul3A_216 = arith.constant 4096 : i32
      %mul3A_217 = arith.muli %add3A_215, %mul3A_216 : i32
      %dma_start3A_218 = arith.constant 2 : i32
      %dma_start3A_219 = arith.constant 0 : i32
      %dma_start3A_220 = arith.constant 0 : i32
      %dma_start3A_221 = tpu.memref_slice %arg5[%dma_start3A_218, %dma_start3A_220] : memref<4x16384xf32, #tpu.memory_space<vmem>> -> memref<1x16384xf32, #tpu.memory_space<vmem>>
      %dma_start3A_222 = tpu.memref_squeeze %dma_start3A_221 : memref<1x16384xf32, #tpu.memory_space<vmem>> -> memref<16384xf32, #tpu.memory_space<vmem>>
      %dma_start3A_223 = tpu.memref_slice %arg3[%dma_start3A_219, %mul3A_217] : memref<1x16777216xf32, #tpu.memory_space<hbm>> -> memref<1x16384xf32, #tpu.memory_space<hbm>>
      %dma_start3A_224 = tpu.memref_squeeze %dma_start3A_223 : memref<1x16384xf32, #tpu.memory_space<hbm>> -> memref<16384xf32, #tpu.memory_space<hbm>>
      %dma_start3A_225 = tpu.memref_slice %arg3[%dma_start3A_219, %mul3A_217] : memref<1x16777216xf32, #tpu.memory_space<hbm>> -> memref<1x16384xf32, #tpu.memory_space<hbm>>
      %dma_start3A_226 = tpu.memref_squeeze %dma_start3A_225 : memref<1x16384xf32, #tpu.memory_space<hbm>> -> memref<16384xf32, #tpu.memory_space<hbm>>
      %dma_start3A_227 = arith.constant 0 : i32
      %dma_start3A_228 = tpu.memref_slice %arg5[%dma_start3A_218, %dma_start3A_227] : memref<4x16384xf32, #tpu.memory_space<vmem>> -> memref<1x16384xf32, #tpu.memory_space<vmem>>
      %dma_start3A_229 = tpu.memref_squeeze %dma_start3A_228 : memref<1x16384xf32, #tpu.memory_space<vmem>> -> memref<16384xf32, #tpu.memory_space<vmem>>
      tpu.enqueue_dma source(%dma_start3A_229 : memref<16384xf32, #tpu.memory_space<vmem>>) target(%dma_start3A_226 : memref<16384xf32, #tpu.memory_space<hbm>>) target_semaphore(%arg6 : memref<!tpu.dma_semaphore, #tpu.memory_space<semaphore_mem>>)
      %mul3A_230 = arith.constant 4 : i32
      %mul3A_231 = arith.muli %scan3A_72, %mul3A_230 : i32
      %add3A_232 = arith.constant 3 : i32
      %add3A_233 = arith.addi %mul3A_231, %add3A_232 : i32
      %ge3A_234 = arith.constant 4 : i32
      %ge3A_235 = arith.cmpi sge, %add3A_233, %ge3A_234 : i32
      %convert_element_type3A_236 = arith.extui %ge3A_235 : i1 to i32
      %cond3A_237 = arith.constant 0 : i32
      %cond3A_238 = arith.cmpi ne, %convert_element_type3A_236, %cond3A_237 : i32
      scf.if %cond3A_238 {
        %mul3A_286 = arith.constant 4 : i32
        %mul3A_287 = arith.muli %add3A_233, %mul3A_286 : i32
        %add3A_288 = arith.addi %mul3A_2, %mul3A_287 : i32
        %mul3A_289 = arith.constant 4096 : i32
        %mul3A_290 = arith.muli %add3A_288, %mul3A_289 : i32
        %dma_wait3A_291 = arith.constant 3 : i32
        %dma_wait3A_292 = arith.constant 0 : i32
        %dma_wait3A_293 = arith.constant 0 : i32
        %dma_wait3A_294 = tpu.memref_slice %arg5[%dma_wait3A_291, %dma_wait3A_293] : memref<4x16384xf32, #tpu.memory_space<vmem>> -> memref<1x16384xf32, #tpu.memory_space<vmem>>
        %dma_wait3A_295 = tpu.memref_squeeze %dma_wait3A_294 : memref<1x16384xf32, #tpu.memory_space<vmem>> -> memref<16384xf32, #tpu.memory_space<vmem>>
        %dma_wait3A_296 = tpu.memref_slice %arg3[%dma_wait3A_292, %mul3A_290] : memref<1x16777216xf32, #tpu.memory_space<hbm>> -> memref<1x16384xf32, #tpu.memory_space<hbm>>
        %dma_wait3A_297 = tpu.memref_squeeze %dma_wait3A_296 : memref<1x16384xf32, #tpu.memory_space<hbm>> -> memref<16384xf32, #tpu.memory_space<hbm>>
        %dma_wait3A_298 = tpu.memref_slice %arg3[%dma_wait3A_292, %mul3A_290] : memref<1x16777216xf32, #tpu.memory_space<hbm>> -> memref<1x16384xf32, #tpu.memory_space<hbm>>
        %dma_wait3A_299 = tpu.memref_squeeze %dma_wait3A_298 : memref<1x16384xf32, #tpu.memory_space<hbm>> -> memref<16384xf32, #tpu.memory_space<hbm>>
        %dma_wait3A_300 = arith.constant 0 : i32
        %dma_wait3A_301 = tpu.memref_slice %arg5[%dma_wait3A_291, %dma_wait3A_300] : memref<4x16384xf32, #tpu.memory_space<vmem>> -> memref<1x16384xf32, #tpu.memory_space<vmem>>
        %dma_wait3A_302 = tpu.memref_squeeze %dma_wait3A_301 : memref<1x16384xf32, #tpu.memory_space<vmem>> -> memref<16384xf32, #tpu.memory_space<vmem>>
        tpu.wait_dma2 semaphore(%arg6 : memref<!tpu.dma_semaphore, #tpu.memory_space<semaphore_mem>>) src(%dma_wait3A_302 : memref<16384xf32, #tpu.memory_space<vmem>>) dst(%dma_wait3A_299 : memref<16384xf32, #tpu.memory_space<hbm>>)
      } else {
      }
      %mul3A_239 = arith.constant 16 : i32
      %mul3A_240 = arith.muli %mul3A_239, %scan3A_72 : i32
      %add3A_241 = arith.addi %mul3A_2, %mul3A_240 : i32
      %get3A_242 = arith.index_cast %add3A_241 : i32 to index
      %get3A_243 = tpu.vector_load %arg4[%get3A_242] {strides = array<i32>} : memref<4096xf32, #tpu.memory_space<vmem>>, vector<16xf32>,
      %get3A_244 = vector.shape_cast %get3A_243 : vector<16xf32> to vector<16xf32>
      %slice3A_245 = vector.extract_strided_slice %get3A_244 {offsets = [12], sizes = [1], strides = [1]} : vector<16xf32> to vector<1xf32>
      %squeeze3A_246 = vector.extract %slice3A_245[0] : f32 from vector<1xf32>
      %add3A_247 = arith.constant 1.000000e+00 : f32
      %add3A_248 = arith.addf %squeeze3A_246, %add3A_247 : f32
      %broadcast_in_dim3A_249 = vector.broadcast %add3A_248 : f32 to vector<16xf32>
      %slice3A_250 = vector.extract_strided_slice %get3A_244 {offsets = [13], sizes = [1], strides = [1]} : vector<16xf32> to vector<1xf32>
      %squeeze3A_251 = vector.extract %slice3A_250[0] : f32 from vector<1xf32>
      %add3A_252 = arith.constant 1.000000e+00 : f32
      %add3A_253 = arith.addf %squeeze3A_251, %add3A_252 : f32
      %broadcast_in_dim3A_254 = vector.broadcast %add3A_253 : f32 to vector<16xf32>
      %slice3A_255 = vector.extract_strided_slice %get3A_244 {offsets = [14], sizes = [1], strides = [1]} : vector<16xf32> to vector<1xf32>
      %squeeze3A_256 = vector.extract %slice3A_255[0] : f32 from vector<1xf32>
      %add3A_257 = arith.constant 1.000000e+00 : f32
      %add3A_258 = arith.addf %squeeze3A_256, %add3A_257 : f32
      %broadcast_in_dim3A_259 = vector.broadcast %add3A_258 : f32 to vector<16xf32>
      %slice3A_260 = vector.extract_strided_slice %get3A_244 {offsets = [15], sizes = [1], strides = [1]} : vector<16xf32> to vector<1xf32>
      %squeeze3A_261 = vector.extract %slice3A_260[0] : f32 from vector<1xf32>
      %add3A_262 = arith.constant 1.000000e+00 : f32
      %add3A_263 = arith.addf %squeeze3A_261, %add3A_262 : f32
      %broadcast_in_dim3A_264 = vector.broadcast %add3A_263 : f32 to vector<16xf32>
      %parallel_loop3A_265 = arith.constant 0 : i32
      %parallel_loop3A_266 = arith.constant 4096 : i32
      %parallel_loop3A_267 = arith.constant 16 : i32
      scf.for %parallel_loop3A_286 = %parallel_loop3A_265 to %parallel_loop3A_266 step %parallel_loop3A_267  : i32 {
        %parallel_loop3A_287 = arith.index_cast %parallel_loop3A_286 : i32 to index
        %parallel_loop3A_288 = tpu.vector_load %arg4[%parallel_loop3A_287] {strides = array<i32>} : memref<4096xf32, #tpu.memory_space<vmem>>, vector<16xf32>,
        %parallel_loop3A_289 = vector.shape_cast %parallel_loop3A_288 : vector<16xf32> to vector<16xf32>
        %parallel_loop3A_290 = arith.addf %parallel_loop3A_289, %broadcast_in_dim3A_249 : vector<16xf32>
        %parallel_loop3A_291 = arith.constant 0 : i32
        %parallel_loop3A_292 = arith.addi %parallel_loop3A_291, %parallel_loop3A_286 : i32
        %parallel_loop3A_293 = arith.constant 3 : i32
        %parallel_loop3A_294 = arith.index_cast %parallel_loop3A_293 : i32 to index
        %parallel_loop3A_295 = arith.index_cast %parallel_loop3A_292 : i32 to index
        %parallel_loop3A_296 = tpu.vector_load %arg5[%parallel_loop3A_294, %parallel_loop3A_295] {strides = array<i32>} : memref<4x16384xf32, #tpu.memory_space<vmem>>, vector<1x16xf32>,
        %parallel_loop3A_297 = vector.shape_cast %parallel_loop3A_296 : vector<1x16xf32> to vector<16xf32>
        %parallel_loop3A_298 = vector.shape_cast %parallel_loop3A_290 : vector<16xf32> to vector<1x16xf32>
        tpu.vector_store %arg5[%parallel_loop3A_294, %parallel_loop3A_295], %parallel_loop3A_298 {strides = array<i32>} : memref<4x16384xf32, #tpu.memory_space<vmem>>, vector<1x16xf32>,
        %parallel_loop3A_299 = arith.addf %parallel_loop3A_289, %broadcast_in_dim3A_254 : vector<16xf32>
        %parallel_loop3A_300 = arith.constant 4096 : i32
        %parallel_loop3A_301 = arith.addi %parallel_loop3A_300, %parallel_loop3A_286 : i32
        %parallel_loop3A_302 = arith.constant 3 : i32
        %parallel_loop3A_303 = arith.index_cast %parallel_loop3A_302 : i32 to index
        %parallel_loop3A_304 = arith.index_cast %parallel_loop3A_301 : i32 to index
        %parallel_loop3A_305 = tpu.vector_load %arg5[%parallel_loop3A_303, %parallel_loop3A_304] {strides = array<i32>} : memref<4x16384xf32, #tpu.memory_space<vmem>>, vector<1x16xf32>,
        %parallel_loop3A_306 = vector.shape_cast %parallel_loop3A_305 : vector<1x16xf32> to vector<16xf32>
        %parallel_loop3A_307 = vector.shape_cast %parallel_loop3A_299 : vector<16xf32> to vector<1x16xf32>
        tpu.vector_store %arg5[%parallel_loop3A_303, %parallel_loop3A_304], %parallel_loop3A_307 {strides = array<i32>} : memref<4x16384xf32, #tpu.memory_space<vmem>>, vector<1x16xf32>,
        %parallel_loop3A_308 = arith.addf %parallel_loop3A_289, %broadcast_in_dim3A_259 : vector<16xf32>
        %parallel_loop3A_309 = arith.constant 8192 : i32
        %parallel_loop3A_310 = arith.addi %parallel_loop3A_309, %parallel_loop3A_286 : i32
        %parallel_loop3A_311 = arith.constant 3 : i32
        %parallel_loop3A_312 = arith.index_cast %parallel_loop3A_311 : i32 to index
        %parallel_loop3A_313 = arith.index_cast %parallel_loop3A_310 : i32 to index
        %parallel_loop3A_314 = tpu.vector_load %arg5[%parallel_loop3A_312, %parallel_loop3A_313] {strides = array<i32>} : memref<4x16384xf32, #tpu.memory_space<vmem>>, vector<1x16xf32>,
        %parallel_loop3A_315 = vector.shape_cast %parallel_loop3A_314 : vector<1x16xf32> to vector<16xf32>
        %parallel_loop3A_316 = vector.shape_cast %parallel_loop3A_308 : vector<16xf32> to vector<1x16xf32>
        tpu.vector_store %arg5[%parallel_loop3A_312, %parallel_loop3A_313], %parallel_loop3A_316 {strides = array<i32>} : memref<4x16384xf32, #tpu.memory_space<vmem>>, vector<1x16xf32>,
        %parallel_loop3A_317 = arith.addf %parallel_loop3A_289, %broadcast_in_dim3A_264 : vector<16xf32>
        %parallel_loop3A_318 = arith.constant 12288 : i32
        %parallel_loop3A_319 = arith.addi %parallel_loop3A_318, %parallel_loop3A_286 : i32
        %parallel_loop3A_320 = arith.constant 3 : i32
        %parallel_loop3A_321 = arith.index_cast %parallel_loop3A_320 : i32 to index
        %parallel_loop3A_322 = arith.index_cast %parallel_loop3A_319 : i32 to index
        %parallel_loop3A_323 = tpu.vector_load %arg5[%parallel_loop3A_321, %parallel_loop3A_322] {strides = array<i32>} : memref<4x16384xf32, #tpu.memory_space<vmem>>, vector<1x16xf32>,
        %parallel_loop3A_324 = vector.shape_cast %parallel_loop3A_323 : vector<1x16xf32> to vector<16xf32>
        %parallel_loop3A_325 = vector.shape_cast %parallel_loop3A_317 : vector<16xf32> to vector<1x16xf32>
        tpu.vector_store %arg5[%parallel_loop3A_321, %parallel_loop3A_322], %parallel_loop3A_325 {strides = array<i32>} : memref<4x16384xf32, #tpu.memory_space<vmem>>, vector<1x16xf32>,
      } {sc.loop_unroll_factor = 8 : i64, sc.parallel_access}
      %mul3A_268 = arith.constant 4 : i32
      %mul3A_269 = arith.muli %add3A_233, %mul3A_268 : i32
      %add3A_270 = arith.addi %mul3A_2, %mul3A_269 : i32
      %mul3A_271 = arith.constant 4096 : i32
      %mul3A_272 = arith.muli %add3A_270, %mul3A_271 : i32
      %dma_start3A_273 = arith.constant 3 : i32
      %dma_start3A_274 = arith.constant 0 : i32
      %dma_start3A_275 = arith.constant 0 : i32
      %dma_start3A_276 = tpu.memref_slice %arg5[%dma_start3A_273, %dma_start3A_275] : memref<4x16384xf32, #tpu.memory_space<vmem>> -> memref<1x16384xf32, #tpu.memory_space<vmem>>
      %dma_start3A_277 = tpu.memref_squeeze %dma_start3A_276 : memref<1x16384xf32, #tpu.memory_space<vmem>> -> memref<16384xf32, #tpu.memory_space<vmem>>
      %dma_start3A_278 = tpu.memref_slice %arg3[%dma_start3A_274, %mul3A_272] : memref<1x16777216xf32, #tpu.memory_space<hbm>> -> memref<1x16384xf32, #tpu.memory_space<hbm>>
      %dma_start3A_279 = tpu.memref_squeeze %dma_start3A_278 : memref<1x16384xf32, #tpu.memory_space<hbm>> -> memref<16384xf32, #tpu.memory_space<hbm>>
      %dma_start3A_280 = tpu.memref_slice %arg3[%dma_start3A_274, %mul3A_272] : memref<1x16777216xf32, #tpu.memory_space<hbm>> -> memref<1x16384xf32, #tpu.memory_space<hbm>>
      %dma_start3A_281 = tpu.memref_squeeze %dma_start3A_280 : memref<1x16384xf32, #tpu.memory_space<hbm>> -> memref<16384xf32, #tpu.memory_space<hbm>>
      %dma_start3A_282 = arith.constant 0 : i32
      %dma_start3A_283 = tpu.memref_slice %arg5[%dma_start3A_273, %dma_start3A_282] : memref<4x16384xf32, #tpu.memory_space<vmem>> -> memref<1x16384xf32, #tpu.memory_space<vmem>>
      %dma_start3A_284 = tpu.memref_squeeze %dma_start3A_283 : memref<1x16384xf32, #tpu.memory_space<vmem>> -> memref<16384xf32, #tpu.memory_space<vmem>>
      tpu.enqueue_dma source(%dma_start3A_284 : memref<16384xf32, #tpu.memory_space<vmem>>) target(%dma_start3A_281 : memref<16384xf32, #tpu.memory_space<hbm>>) target_semaphore(%arg6 : memref<!tpu.dma_semaphore, #tpu.memory_space<semaphore_mem>>)
      %scan3A_285 = arith.constant 0 : i32
      scf.yield %scan3A_285 : i32
    }
    %scan3A_8 = arith.constant 8 : i32
    %add3A_9 = arith.constant 112 : i32
    %add3A_10 = arith.addi %mul3A_2, %add3A_9 : i32
    %mul3A_11 = arith.constant 4096 : i32
    %mul3A_12 = arith.muli %add3A_10, %mul3A_11 : i32
    %dma_wait3A = arith.constant 0 : i32
    %dma_wait3A_13 = arith.constant 0 : i32
    %dma_wait3A_14 = arith.constant 0 : i32
    %dma_wait3A_15 = tpu.memref_slice %arg5[%dma_wait3A, %dma_wait3A_14] : memref<4x16384xf32, #tpu.memory_space<vmem>> -> memref<1x16384xf32, #tpu.memory_space<vmem>>
    %dma_wait3A_16 = tpu.memref_squeeze %dma_wait3A_15 : memref<1x16384xf32, #tpu.memory_space<vmem>> -> memref<16384xf32, #tpu.memory_space<vmem>>
    %dma_wait3A_17 = tpu.memref_slice %arg3[%dma_wait3A_13, %mul3A_12] : memref<1x16777216xf32, #tpu.memory_space<hbm>> -> memref<1x16384xf32, #tpu.memory_space<hbm>>
    %dma_wait3A_18 = tpu.memref_squeeze %dma_wait3A_17 : memref<1x16384xf32, #tpu.memory_space<hbm>> -> memref<16384xf32, #tpu.memory_space<hbm>>
    %dma_wait3A_19 = tpu.memref_slice %arg3[%dma_wait3A_13, %mul3A_12] : memref<1x16777216xf32, #tpu.memory_space<hbm>> -> memref<1x16384xf32, #tpu.memory_space<hbm>>
    %dma_wait3A_20 = tpu.memref_squeeze %dma_wait3A_19 : memref<1x16384xf32, #tpu.memory_space<hbm>> -> memref<16384xf32, #tpu.memory_space<hbm>>
    %dma_wait3A_21 = arith.constant 0 : i32
    %dma_wait3A_22 = tpu.memref_slice %arg5[%dma_wait3A, %dma_wait3A_21] : memref<4x16384xf32, #tpu.memory_space<vmem>> -> memref<1x16384xf32, #tpu.memory_space<vmem>>
    %dma_wait3A_23 = tpu.memref_squeeze %dma_wait3A_22 : memref<1x16384xf32, #tpu.memory_space<vmem>> -> memref<16384xf32, #tpu.memory_space<vmem>>
    tpu.wait_dma2 semaphore(%arg6 : memref<!tpu.dma_semaphore, #tpu.memory_space<semaphore_mem>>) src(%dma_wait3A_23 : memref<16384xf32, #tpu.memory_space<vmem>>) dst(%dma_wait3A_20 : memref<16384xf32, #tpu.memory_space<hbm>>)
    %add3A_24 = arith.constant 116 : i32
    %add3A_25 = arith.addi %mul3A_2, %add3A_24 : i32
    %mul3A_26 = arith.constant 4096 : i32
    %mul3A_27 = arith.muli %add3A_25, %mul3A_26 : i32
    %dma_wait3A_28 = arith.constant 1 : i32
    %dma_wait3A_29 = arith.constant 0 : i32
    %dma_wait3A_30 = arith.constant 0 : i32
    %dma_wait3A_31 = tpu.memref_slice %arg5[%dma_wait3A_28, %dma_wait3A_30] : memref<4x16384xf32, #tpu.memory_space<vmem>> -> memref<1x16384xf32, #tpu.memory_space<vmem>>
    %dma_wait3A_32 = tpu.memref_squeeze %dma_wait3A_31 : memref<1x16384xf32, #tpu.memory_space<vmem>> -> memref<16384xf32, #tpu.memory_space<vmem>>
    %dma_wait3A_33 = tpu.memref_slice %arg3[%dma_wait3A_29, %mul3A_27] : memref<1x16777216xf32, #tpu.memory_space<hbm>> -> memref<1x16384xf32, #tpu.memory_space<hbm>>
    %dma_wait3A_34 = tpu.memref_squeeze %dma_wait3A_33 : memref<1x16384xf32, #tpu.memory_space<hbm>> -> memref<16384xf32, #tpu.memory_space<hbm>>
    %dma_wait3A_35 = tpu.memref_slice %arg3[%dma_wait3A_29, %mul3A_27] : memref<1x16777216xf32, #tpu.memory_space<hbm>> -> memref<1x16384xf32, #tpu.memory_space<hbm>>
    %dma_wait3A_36 = tpu.memref_squeeze %dma_wait3A_35 : memref<1x16384xf32, #tpu.memory_space<hbm>> -> memref<16384xf32, #tpu.memory_space<hbm>>
    %dma_wait3A_37 = arith.constant 0 : i32
    %dma_wait3A_38 = tpu.memref_slice %arg5[%dma_wait3A_28, %dma_wait3A_37] : memref<4x16384xf32, #tpu.memory_space<vmem>> -> memref<1x16384xf32, #tpu.memory_space<vmem>>
    %dma_wait3A_39 = tpu.memref_squeeze %dma_wait3A_38 : memref<1x16384xf32, #tpu.memory_space<vmem>> -> memref<16384xf32, #tpu.memory_space<vmem>>
    tpu.wait_dma2 semaphore(%arg6 : memref<!tpu.dma_semaphore, #tpu.memory_space<semaphore_mem>>) src(%dma_wait3A_39 : memref<16384xf32, #tpu.memory_space<vmem>>) dst(%dma_wait3A_36 : memref<16384xf32, #tpu.memory_space<hbm>>)
    %add3A_40 = arith.constant 120 : i32
    %add3A_41 = arith.addi %mul3A_2, %add3A_40 : i32
    %mul3A_42 = arith.constant 4096 : i32
    %mul3A_43 = arith.muli %add3A_41, %mul3A_42 : i32
    %dma_wait3A_44 = arith.constant 2 : i32
    %dma_wait3A_45 = arith.constant 0 : i32
    %dma_wait3A_46 = arith.constant 0 : i32
    %dma_wait3A_47 = tpu.memref_slice %arg5[%dma_wait3A_44, %dma_wait3A_46] : memref<4x16384xf32, #tpu.memory_space<vmem>> -> memref<1x16384xf32, #tpu.memory_space<vmem>>
    %dma_wait3A_48 = tpu.memref_squeeze %dma_wait3A_47 : memref<1x16384xf32, #tpu.memory_space<vmem>> -> memref<16384xf32, #tpu.memory_space<vmem>>
    %dma_wait3A_49 = tpu.memref_slice %arg3[%dma_wait3A_45, %mul3A_43] : memref<1x16777216xf32, #tpu.memory_space<hbm>> -> memref<1x16384xf32, #tpu.memory_space<hbm>>
    %dma_wait3A_50 = tpu.memref_squeeze %dma_wait3A_49 : memref<1x16384xf32, #tpu.memory_space<hbm>> -> memref<16384xf32, #tpu.memory_space<hbm>>
    %dma_wait3A_51 = tpu.memref_slice %arg3[%dma_wait3A_45, %mul3A_43] : memref<1x16777216xf32, #tpu.memory_space<hbm>> -> memref<1x16384xf32, #tpu.memory_space<hbm>>
    %dma_wait3A_52 = tpu.memref_squeeze %dma_wait3A_51 : memref<1x16384xf32, #tpu.memory_space<hbm>> -> memref<16384xf32, #tpu.memory_space<hbm>>
    %dma_wait3A_53 = arith.constant 0 : i32
    %dma_wait3A_54 = tpu.memref_slice %arg5[%dma_wait3A_44, %dma_wait3A_53] : memref<4x16384xf32, #tpu.memory_space<vmem>> -> memref<1x16384xf32, #tpu.memory_space<vmem>>
    %dma_wait3A_55 = tpu.memref_squeeze %dma_wait3A_54 : memref<1x16384xf32, #tpu.memory_space<vmem>> -> memref<16384xf32, #tpu.memory_space<vmem>>
    tpu.wait_dma2 semaphore(%arg6 : memref<!tpu.dma_semaphore, #tpu.memory_space<semaphore_mem>>) src(%dma_wait3A_55 : memref<16384xf32, #tpu.memory_space<vmem>>) dst(%dma_wait3A_52 : memref<16384xf32, #tpu.memory_space<hbm>>)
    %add3A_56 = arith.constant 124 : i32
    %add3A_57 = arith.addi %mul3A_2, %add3A_56 : i32
    %mul3A_58 = arith.constant 4096 : i32
    %mul3A_59 = arith.muli %add3A_57, %mul3A_58 : i32
    %dma_wait3A_60 = arith.constant 3 : i32
    %dma_wait3A_61 = arith.constant 0 : i32
    %dma_wait3A_62 = arith.constant 0 : i32
    %dma_wait3A_63 = tpu.memref_slice %arg5[%dma_wait3A_60, %dma_wait3A_62] : memref<4x16384xf32, #tpu.memory_space<vmem>> -> memref<1x16384xf32, #tpu.memory_space<vmem>>
    %dma_wait3A_64 = tpu.memref_squeeze %dma_wait3A_63 : memref<1x16384xf32, #tpu.memory_space<vmem>> -> memref<16384xf32, #tpu.memory_space<vmem>>
    %dma_wait3A_65 = tpu.memref_slice %arg3[%dma_wait3A_61, %mul3A_59] : memref<1x16777216xf32, #tpu.memory_space<hbm>> -> memref<1x16384xf32, #tpu.memory_space<hbm>>
    %dma_wait3A_66 = tpu.memref_squeeze %dma_wait3A_65 : memref<1x16384xf32, #tpu.memory_space<hbm>> -> memref<16384xf32, #tpu.memory_space<hbm>>
    %dma_wait3A_67 = tpu.memref_slice %arg3[%dma_wait3A_61, %mul3A_59] : memref<1x16777216xf32, #tpu.memory_space<hbm>> -> memref<1x16384xf32, #tpu.memory_space<hbm>>
    %dma_wait3A_68 = tpu.memref_squeeze %dma_wait3A_67 : memref<1x16384xf32, #tpu.memory_space<hbm>> -> memref<16384xf32, #tpu.memory_space<hbm>>
    %dma_wait3A_69 = arith.constant 0 : i32
    %dma_wait3A_70 = tpu.memref_slice %arg5[%dma_wait3A_60, %dma_wait3A_69] : memref<4x16384xf32, #tpu.memory_space<vmem>> -> memref<1x16384xf32, #tpu.memory_space<vmem>>
    %dma_wait3A_71 = tpu.memref_squeeze %dma_wait3A_70 : memref<1x16384xf32, #tpu.memory_space<vmem>> -> memref<16384xf32, #tpu.memory_space<vmem>>
    tpu.wait_dma2 semaphore(%arg6 : memref<!tpu.dma_semaphore, #tpu.memory_space<semaphore_mem>>) src(%dma_wait3A_71 : memref<16384xf32, #tpu.memory_space<vmem>>) dst(%dma_wait3A_68 : memref<16384xf32, #tpu.memory_space<hbm>>)
    return
  }
}

</mosaic_0001>

<sc_bundles>
// kernel: kernel.3.cloned.1.call-start
scs
__scs_entry_jumppad:
0x0: {  	(pc) =	sbr.rel $0x88, $3  }
0x1: {  	(tag) =	ssettag $0x0;
	lr =	simm.s32 $0x1  }
0x2: {  	[smem:$0x3FA0] =	sst lr;
	_ =	strace $0xD0000000  }
0x3: {  	_ = 	snop  }
0x4: {  	_ = 	snop  }
0x5: {  	_ = 	snop  }
0x6: {  	_ = 	snop  }
0x7: {  	_ = 	snop  }
__scs_overlays_trampoline_lowered:
0x8: {  	[smem:$0x3FAF] =	sst s0  }
0x9: {  	[smem:$0x3FB0] =	sst s1  }
0xa: {  	[smem:$0x3FB1] =	sst s2  }
0xb: {  	[smem:$0x3FB2] =	sst s3  }
0xc: {  	[smem:$0x3FB3] =	sst s4  }
0xd: {  	[smem:$0x3FB4] =	sst s5  }
0xe: {  	[smem:$0x3FB5] =	sst s6  }
0xf: {  	[smem:$0x3FB6] =	sst s7  }
0x10: {  	[smem:$0x3FB7] =	sst s8  }
0x11: {  	[smem:$0x3FB8] =	sst s9;
	s0 =	simm.s32 @!p0 $0x0  }
0x12: {  	s1 =	sld [smem:$0x3F9E];
	s0 =	simm.s32 @p0 $0x1  }
0x13: {  	[smem:$0x3FB9] =	sst s0;
	s0 =	simm.s32 @!p1 $0x0  }
0x14: {  	s2 =	sld [smem:$0x3F9D];
	s0 =	simm.s32 @p1 $0x1  }
0x15: {  	[smem:$0x3FBA] =	sst s0;
	s0 =	simm.s32 @!p2 $0x0  }
0x16: {  	s3 =	sld [smem:$0x3FDB];
	s0 =	simm.s32 @p2 $0x1  }
0x17: {  	s4 =	simm.s32 $0x1BF5;
	[smem:$0x3FBC] =	sst s0  }
0x18: {  	s0 =	sld [smem:$0x3F9F];
	_ =	swait.ge [sflag:s4], $0x0  }
0x19: {  	s7 =	sld [smem:$0x3FA0]  }
0x1a: {  	s8 =	sadd.s32 $0xFFFFE003, lr  }
0x1b: {  	s9 =	sadd.s32 $0xFFFFFEF7, lr;
	s5 =	simm.s32 $0xFFFFFFFF;
	p2 =	slt.u32 s8, $0xFFFFF086  }
0x1c: {  	p1 =	slt.u32 s9, $0xF7A;
	s5 =	simm.s32 @!p2 $0x0  }
0x1d: {  	s5 =	simm.s32 @p1 $0x1;
	p0 =	seq.s32 s7, s2  }
0x1e: {  	s7 =	smul.u32 @!p0 $0xF7A, s2;
	p2 =	seq.s32 @!p0 s5, $0x0  }
0x1f: {  	s9 =	smul.u32 $0xF7A, s1;
	s8 =	simm.s32 @!p0 $0x1BF5;
	p2 =	por !p2, p0  }
0x20: {  	[sflag:s8] =	ssyncset.s32 @!p0 $0xFFFFF086;
	s6 =	sadd.s32 @!p0 s3, s7;
	s7 =	simm.s32 @!p0 $0x108  }
0x21: {  	s3 =	sadd.s32 s3, s9;
	s6 =	sadd.s32 @!p0 $0x88, s6;
	s7 =	simm.s32 @p2 $0x1082  }
0x22: {  	[simem:s7], [sflag:s8] =	dma.local @!p0 [hbm:s6], $0xF7A  }
0x23: {  	s9 =	sor.u32 $0xD0000000, s2;
	s6 =	simm.s32 $0x108;
	_ =	swait.ge @!p0 [sflag:s8], $0x0  }
0x24: {  	s3 =	sadd.s32 $0x88, s3;
	s6 =	simm.s32 @!p1 $0x1082;
	[sflag:s4] =	ssyncset.s32 $0xFFFFF086  }
0x25: {  	[simem:s6], [sflag:s4] =	dma.local [hbm:s3], $0xF7A  }
0x26: {  	[smem:$0x3FA0] =	sst s1;
	(tag) =	ssettag s2;
	_ =	strace s9  }
0x27: {  	s1 =	sld [smem:$0x3FB0]  }
0x28: {  	s2 =	sld [smem:$0x3FB1]  }
0x29: {  	s4 =	sld [smem:$0x3FB3]  }
0x2a: {  	p0 =	seq.s32 s5, $0x0;
	s5 =	sld [smem:$0x3FB4]  }
0x2b: {  	s6 =	sld [smem:$0x3FB5]  }
0x2c: {  	s7 =	sld [smem:$0x3FB6]  }
0x2d: {  	s3 =	simm.s32 $0x108;
	s8 =	sld [smem:$0x3FB7]  }
0x2e: {  	s3 =	simm.s32 @!p0 $0x1082;
	s9 =	sld [smem:$0x3FB8]  }
0x2f: {  	lr =	sadd.s32 s0, s3;
	s0 =	sld [smem:$0x3FAF]  }
0x30: {  	s3 =	sld [smem:$0x3FB2]  }
0x31: {  	[smem:$0x3FBB] =	sst s10  }
0x32: {  	s10 =	sld [smem:$0x3FB9];
	_ =	sdelay $0x3  }
0x33: {  	p0 =	seq.s32 s10, $0x1;
	s10 =	sld [smem:$0x3FBB];
	_ =	sdelay $0x3  }
0x34: {  	[smem:$0x3FBB] =	sst s10  }
0x35: {  	s10 =	sld [smem:$0x3FBA];
	_ =	sdelay $0x3  }
0x36: {  	p1 =	seq.s32 s10, $0x1;
	s10 =	sld [smem:$0x3FBB];
	_ =	sdelay $0x3  }
0x37: {  	[smem:$0x3FBB] =	sst s10  }
0x38: {  	s10 =	sld [smem:$0x3FBC]  }
0x39: {  	_ = 	snop;
	(pc) =	sbr.ind lr, $3  }
0x3a: {  	_ = 	snop  }
0x3b: {  	_ = 	snop  }
0x3c: {  	p2 =	seq.s32 s10, $0x1;
	s10 =	sld [smem:$0x3FBB]  }
0x3d: {  	_ =	shalt  }
0x3e: {  	_ =	shalt  }
0x3f: {  	_ =	shalt  }
0x40: {  	_ =	shalt  }
0x41: {  	_ =	shalt  }
0x42: {  	_ =	shalt  }
0x43: {  	_ =	shalt  }
0x44: {  	_ =	shalt  }
0x45: {  	_ =	shalt  }
0x46: {  	_ =	shalt  }
0x47: {  	_ =	shalt  }
0x48: {  	_ =	shalt  }
0x49: {  	_ =	shalt  }
0x4a: {  	_ =	shalt  }
0x4b: {  	_ =	shalt  }
0x4c: {  	_ =	shalt  }
0x4d: {  	_ =	shalt  }
0x4e: {  	_ =	shalt  }
0x4f: {  	_ =	shalt  }
0x50: {  	_ =	shalt  }
0x51: {  	_ =	shalt  }
0x52: {  	_ =	shalt  }
0x53: {  	_ =	shalt  }
0x54: {  	_ =	shalt  }
0x55: {  	_ =	shalt  }
0x56: {  	_ =	shalt  }
0x57: {  	_ =	shalt  }
0x58: {  	_ =	shalt  }
0x59: {  	_ =	shalt  }
0x5a: {  	_ =	shalt  }
0x5b: {  	_ =	shalt  }
0x5c: {  	_ =	shalt  }
0x5d: {  	_ =	shalt  }
0x5e: {  	_ =	shalt  }
0x5f: {  	_ =	shalt  }
0x60: {  	_ =	shalt  }
0x61: {  	_ =	shalt  }
0x62: {  	_ =	shalt  }
0x63: {  	_ =	shalt  }
0x64: {  	_ =	shalt  }
0x65: {  	_ =	shalt  }
0x66: {  	_ =	shalt  }
0x67: {  	_ =	shalt  }
0x68: {  	_ =	shalt  }
0x69: {  	_ =	shalt  }
0x6a: {  	_ =	shalt  }
0x6b: {  	_ =	shalt  }
0x6c: {  	_ =	shalt  }
0x6d: {  	_ =	shalt  }
0x6e: {  	_ =	shalt  }
0x6f: {  	_ =	shalt  }
0x70: {  	_ =	shalt  }
0x71: {  	_ =	shalt  }
0x72: {  	_ =	shalt  }
0x73: {  	_ =	shalt  }
0x74: {  	_ =	shalt  }
0x75: {  	_ =	shalt  }
0x76: {  	_ =	shalt  }
0x77: {  	_ =	shalt  }
0x78: {  	_ =	shalt  }
0x79: {  	_ =	shalt  }
0x7a: {  	_ =	shalt  }
0x7b: {  	_ =	shalt  }
0x7c: {  	_ =	shalt  }
0x7d: {  	_ =	shalt  }
0x7e: {  	_ =	shalt  }
0x7f: {  	_ =	shalt  }
0x80: {  	_ =	shalt  }
0x81: {  	_ =	shalt  }
0x82: {  	_ =	shalt  }
0x83: {  	_ =	shalt  }
0x84: {  	_ =	shalt  }
0x85: {  	_ =	shalt  }
0x86: {  	_ =	shalt  }
0x87: {  	_ =	shalt  }
.Lfunc_end0:
.L_simem_size_0:
called_computation_lowered:
.L_overlay_start_0:
0x88: {  	s2 =	sld [smem:$0x3FD9]  }
0x89: {  	s3 =	sld [smem:$0x3FFE];
	_ =	sdelay $0x1  }
0x8a: {  	s1 =	srdreg.scid  }
0x8b: {  	s0 =	sand.u32 $0x1, s1  }
0x8c: {  	s18 =	sshll.u32 s0, $0xA;
	s2 =	sadd.s32 s3, s2  }
0x8d: {  	s2 =	sadd.s32 s2, s18  }
0x8e: {  	[smem:$0x3FC7] =	sst s2  }
0x8f: {  	_ = 	snop  }
0x90: {  	s2 =	sld [smem:$0x3FC9]  }
0x91: {  	s19 =	sld [smem:$0x3FD0];
	(tm) =	ssettm $0x1  }
0x92: {  	s4 =	sld [smem:$0x3FFB];
	_ =	sdelay $0x3  }
0x93: {  	_ =	strace s4  }
0x94: {  	s4 =	sld [smem:$0x3FFC];
	_ =	sdelay $0x3  }
0x95: {  	_ =	strace s4  }
0x96: {  	s4 =	sld [smem:$0x3FFD];
	_ =	sdelay $0x3  }
0x97: {  	_ =	strace s4  }
0x98: {  	_ =	strace $0x8FFFFFFF  }
0x99: {  	s20 =	sld [smem:$0x3FDB];
	_ =	sdelay $0x1  }
0x9a: {  	s5 =	simm.s32 $_scs_section_size  }
0x9b: {  	s6 =	simm.s32 $_size__tile_overlayer_lowered;
	s7 =	simm.s32 $_tile_overlayer_lowered  }
0x9c: {  	s23 =	simm.s32 $0x1BFF;
	s22 =	sshll.u32 s7, $0x1;
	s4 =	sadd.s32 s5, s20  }
0x9d: {  	s8 =	simm.s32 $0x0;
	s21 =	sshll.u32 s6, $0x1;
	s6 =	sadd.s32 s22, s4  }
0x9e: {  	[timem:s8], [sflag:s23] =	dma.local [hbm:s6], s21  }
0x9f: {  	_ =	swait.ge [sflag:s23], s21  }
0xa0: {  	s5 =	ssub.s32 $0x0, s21;
	[sflag:s23] =	ssyncset.done $0x0  }
0xa1: {  	[sflag:s23] =	ssyncadd.s32 s5;
	_ =	sdelay $0x1  }
0xa2: {  	s24 =	simm.s32 $0x1B8B  }
0xa3: {  	_ =	swait.ge [sflag:s24], $0x1  }
0xa4: {  	[sflag:s24] =	ssyncset.done $0x0  }
0xa5: {  	s25 =	simm.s32 $0x1B8E;
	[sflag:s24] =	ssyncadd.s32 $0xFFFFFFFF  }
0xa6: {  	s26 =	simm.s32 $execute0_lowered;
	[smem:$0x3FD2] =	sst s25  }
0xa7: {  	s5 =	sshll.u32 s26, $0x1;
	_ =	strace $0x80000046;
	[dreg:$0x1] =	wrdreg $0xFFFFFFFF  }
0xa8: {  	s28 =	simm.s32 $_size_execute0_lowered;
	s4 =	sadd.s32 s4, s5;
	[dreg:$0x0] =	wrdreg $0x0  }
0xa9: {  	s5 =	sshll.u32 s28, $0x1;
	[dreg:$0x2] =	wrdreg s4  }
0xaa: {  	[dreg:$0x3] =	wrdreg s5  }
0xab: {  	[dreg:$0x4] =	wrdreg $0xC0  }
0xac: {  	_ =	task [dreg:s8], $0x5FFFF  }
0xad: {  	[dreg:$0x1] =	wrdreg $0xFFFFFFFF  }
0xae: {  	[dreg:$0x0] =	wrdreg $0x60  }
0xaf: {  	[dreg:$0x2] =	wrdreg s2  }
0xb0: {  	[dreg:$0x3] =	wrdreg s19  }
0xb1: {  	[dreg:$0x4] =	wrdreg $0x9  }
0xb2: {  	_ =	task.clear_ibuf [dreg:s8], $0x5FFFF;
	_ =	strace $0x90000046  }
0xb3: {  	s29 =	simm.s32 $0x9;
	_ =	strace $0x80000048  }
0xb4: {  	_ =	swait.ge [sflag:s29], $0x1  }
0xb5: {  	[sflag:s29] =	ssyncadd.s32 $0xFFFFFFFF  }
0xb6: {  	_ =	strace $0x90000048  }
0xb7: {  	_ =	sfence  }
0xb8: {  	s30 =	sld [smem:$0x0];
	_ =	sdelay $0x2  }
0xb9: {  	s31 =	sshll.u32 s1, $0xD;
	s1 =	sshrl.u32 s1, $0x2  }
0xba: {  	s3 =	sand.u32 $0x4000, s31;
	s1 =	sadd.s32 s1, s30  }
0xbb: {  	s0 =	sor.u32 s3, s0;
	s1 =	sshll.u32 s1, $0x11  }
0xbc: {  	s0 =	sor.u32 s1, s0  }
0xbd: {  	s0 =	sadd.s32 $0x8F2B, s0  }
0xbe: {  	[sflag:s0] =	ssyncadd.remote.s32 $0x1  }
0xbf: {  	_ =	sfence.sel $0xFFFF  }
0xc0: {  	[dreg:$0x0] =	wrdreg $0xFFFFFFFF;
	(pc) =	sbr.abs _section_cstart, $3  }
0xc1: {  	[dreg:$0x1] =	wrdreg $0xFFFFFFFF  }
0xc2: {  	_ =	task.clear_ibuf [dreg:s8], $0x2FFFF;
	_ =	strace $0x9FFFFFFF  }
0xc3: {  	(tm) =	ssettm $0x7FFFFFFF  }
tec
execute0_lowered:
.L_overlay_start_1:
0x0: {  	(tag) =	ssettag $0x1  }
0x1: {  	s1 =	srdreg.scid;
	s2 =	rddreg [dreg:$0x0]  }
0x2: {  	s0 =	stileid.u32;
	s3 =	rddreg [dreg:$0x1]  }
0x3: {  	s9 =	simm.s32 $0x1;
	s10 =	simm.s32 $0x0;
	s4 =	sand.u32 $0x1, s1  }
0x4: {  	s5 =	sshll.u32 s0, $0x8;
	s1 =	rddreg [dreg:$0x2];
	s6 =	sshll.u32 s4, $0x7  }
0x5: {  	s7 =	ssub.s32 $0x2, s4;
	s4 =	sor.u32 s6, s5;
	s5 =	simm.s32 $0x0  }
0x6: {  	s30 =	sshrl.u32 s7, $0x1;
	s8 =	sshll.u32 s4, $0x9;
	[smem:$0x7FF] =	sst s5  }
0x7: {  	s7 =	ssub.s32 s7, s30;
	s31 =	sadd.s32 s8, s3;
	_ =	strace $0x80000047  }
0x8: {  	v0 =	vmov s4;
	s7 =	smax.u32 s7, $0x1;
	s8 =	simm.s32 $0x2;
	s6 =	sadd.s32 $0x1000, s31  }
.LBB2_1:
0x9: {  	[tilespmem:s5], [sflag:$0x2] =	stream.linear.gather [hbm4b:s2+s5], $0x1000, $0x38;
	[tilespmem:$0x11000] =	vst v63  }
0xa: {  	_ =	swait.ge [sflag:s8], $0x1000  }
0xb: {  	[sflag:s8] =	ssyncset.done $0x0  }
0xc: {  	s11 =	simm.s32 $0x0;
	[sflag:s8] =	ssyncadd.s32 $0xFFFFF000  }
.LBB2_2:
0xd: {  	p0 =	seq.s32 s11, $0x0  }
0xe: {  	s12 =	simm.s32 @!p0 $0x1  }
0xf: {  	_ =	swait.ge @!p0 [sflag:s12], $0x4000  }
0x10: {  	[sflag:s12] =	ssyncset.done @!p0 $0x0  }
0x11: {  	s13 =	sshll.u32 s11, $0x4;
	[sflag:s12] =	ssyncadd.s32 @!p0 $0xFFFFC000  }
0x12: {  	v1 =	vld.idx.msk [tilespmem:v0+s13+$0x0 ss:$0x1], $0xffff;
	_ =	sdelay $0x4  }
0x13: {  	(v2sf) =	vpush v1, $0x0  }
0x14: {  	(v2sf) =	vpush v1, $0x1  }
0x15: {  	(v2sf) =	vpush v1, $0x2  }
0x16: {  	(v2sf) =	vpush v1, $0x3;
	_ =	sdelay $0x9  }
0x17: {  	s15 =	simm.s32 $0x40  }
0x18: {  	v5 =	vld [tilespmem:s15+$0xFFFFFFD0]  }
0x19: {  	s30 =	spop (v2sf)  }
0x1a: {  	v7 =	vld [tilespmem:s15+$0xFFFFFFE0];
	s14 =	spop (v2sf);
	s12 =	sadd.f32 $1.000000000e+00, s30  }
0x1b: {  	v6 =	vld [tilespmem:s15+$0x30];
	s16 =	spop (v2sf);
	s14 =	sadd.f32 $1.000000000e+00, s14  }
0x1c: {  	v11 =	vld [tilespmem:s15+$0xFFFFFFC0];
	s17 =	spop (v2sf);
	v2 =	vmov s12  }
0x1d: {  	s17 =	sadd.f32 $1.000000000e+00, s17;
	v3 =	vmov s14;
	v9 =	vadd.f32 v5, v2  }
0x1e: {  	s14 =	simm.s32 $0xD070;
	v10 =	vadd.f32 v5, v3  }
0x1f: {  	s31 =	sadd.f32 $1.000000000e+00, s16;
	v1 =	vmov s17;
	[tilespmem:s14+$0xFFFF3FA0] =	vst v9;
	v9 =	vadd.f32 v7, v2  }
0x20: {  	v8 =	vadd.f32 v6, v1;
	[tilespmem:s14+$0xFFFF7FA0] =	vst v10  }
0x21: {  	v4 =	vmov s31;
	v10 =	vadd.f32 v11, v3;
	[tilespmem:s14+$0xFFFF3FB0] =	vst v9  }
0x22: {  	[tilespmem:s14+$0x0] =	vst v8;
	v8 =	vadd.f32 v5, v4  }
0x23: {  	v5 =	vadd.f32 v5, v1;
	[tilespmem:s14+$0xFFFF7F90] =	vst v10  }
0x24: {  	v10 =	vadd.f32 v7, v4;
	[tilespmem:s14+$0xFFFFBFA0] =	vst v8  }
0x25: {  	v9 =	vld [tilespmem:s15+$0xFFFFFFF0];
	v8 =	vadd.f32 v7, v3;
	[tilespmem:s14+$0xFFFFFFA0] =	vst v5  }
0x26: {  	v5 =	vadd.f32 v11, v2;
	[tilespmem:s14+$0xFFFFBFB0] =	vst v10  }
0x27: {  	v7 =	vadd.f32 v7, v1;
	[tilespmem:s14+$0xFFFF7FB0] =	vst v8  }
0x28: {  	v8 =	vadd.f32 v11, v4;
	[tilespmem:s14+$0xFFFF3F90] =	vst v5  }
0x29: {  	v5 =	vadd.f32 v11, v1;
	[tilespmem:s14+$0xFFFFFFB0] =	vst v7;
	v11 =	vld [tilespmem:s15+$0x10]  }
0x2a: {  	v10 =	vadd.f32 v9, v3;
	[tilespmem:s14+$0xFFFFBF90] =	vst v8  }
0x2b: {  	[tilespmem:s14+$0xFFFFFF90] =	vst v5;
	v5 =	vadd.f32 v9, v2  }
0x2c: {  	v7 =	vadd.f32 v9, v4;
	v8 =	vld [tilespmem:s15+$0x0];
	[tilespmem:s14+$0xFFFF7FC0] =	vst v10  }
0x2d: {  	[tilespmem:s14+$0xFFFF3FC0] =	vst v5;
	v5 =	vadd.f32 v9, v1  }
0x2e: {  	[tilespmem:s14+$0xFFFFBFC0] =	vst v7;
	v10 =	vadd.f32 v11, v3  }
0x2f: {  	v12 =	vld [tilespmem:s15+$0x20];
	v13 =	vadd.f32 v11, v4;
	[tilespmem:s14+$0xFFFFFFC0] =	vst v5  }
0x30: {  	v14 =	vadd.f32 v11, v1;
	[tilespmem:s14+$0xFFFF7FE0] =	vst v10  }
0x31: {  	v9 =	vadd.f32 v8, v2;
	[tilespmem:s14+$0xFFFFBFE0] =	vst v13  }
0x32: {  	v7 =	vadd.f32 v8, v3;
	[tilespmem:s14+$0xFFFFFFE0] =	vst v14  }
0x33: {  	v5 =	vadd.f32 v8, v4;
	v8 =	vadd.f32 v8, v1;
	[tilespmem:s14+$0xFFFF3FD0] =	vst v9  }
0x34: {  	v10 =	vadd.f32 v12, v4;
	[tilespmem:s14+$0xFFFF7FD0] =	vst v7;
	v7 =	vadd.f32 v11, v2  }
0x35: {  	[tilespmem:s14+$0xFFFFBFD0] =	vst v5;
	v5 =	vadd.f32 v6, v2;
	v11 =	vadd.f32 v12, v2  }
0x36: {  	[tilespmem:s14+$0xFFFFFFD0] =	vst v8;
	v9 =	vadd.f32 v12, v3;
	v8 =	vadd.f32 v12, v1  }
0x37: {  	s12 =	sadd.s32 s13, s4;
	s16 =	simm.s32 $0xC0;
	s15 =	simm.s32 $0x0;
	[tilespmem:s14+$0xFFFF3FE0] =	vst v7;
	v7 =	vadd.f32 v6, v3;
	v6 =	vadd.f32 v6, v4  }
.LBB2_3:
0x38: {  	v12 =	vld [tilespmem:s16+$0x30];
	s15 =	sadd.s32 $0x80, s15;
	[tilespmem:s14+$0xFFFF3FF0] =	vst v11  }
0x39: {  	v11 =	vld [tilespmem:s16+$0xFFFFFFD0];
	p1 =	slt.u32 s15, $0xF80;
	[tilespmem:s14+$0xFFFF7FF0] =	vst v9  }
0x3a: {  	v9 =	vld [tilespmem:s16+$0xFFFFFFE0];
	[tilespmem:s14+$0xFFFFBFF0] =	vst v10  }
0x3b: {  	v10 =	vld [tilespmem:s16+$0xFFFFFFF0];
	[tilespmem:s14+$0xFFFFFFF0] =	vst v8  }
0x3c: {  	v8 =	vld [tilespmem:s16+$0x0];
	[tilespmem:s14+$0xFFFF4000] =	vst v5  }
0x3d: {  	v13 =	vld [tilespmem:s16+$0x10];
	v5 =	vadd.f32 v12, v2;
	v14 =	vadd.f32 v12, v1;
	[tilespmem:s14+$0xFFFF8000] =	vst v7  }
0x3e: {  	v7 =	vadd.f32 v11, v2;
	v15 =	vadd.f32 v11, v3;
	v16 =	vld [tilespmem:s16+$0x20];
	[tilespmem:s14+$0xFFFFC000] =	vst v6;
	s14 =	sadd.s32 $0x200, s14  }
0x3f: {  	v17 =	vadd.f32 v11, v4;
	v11 =	vadd.f32 v11, v1;
	v6 =	vld [tilespmem:s16+$0xFFFFFFC0];
	[tilespmem:s14+$0x0] =	vst v14  }
0x40: {  	v14 =	vadd.f32 v9, v3;
	[tilespmem:s14+$0xFFFF3FA0] =	vst v7;
	v7 =	vadd.f32 v9, v2  }
0x41: {  	v18 =	vadd.f32 v9, v1;
	[tilespmem:s14+$0xFFFF7FA0] =	vst v15;
	v15 =	vadd.f32 v9, v4  }
0x42: {  	v19 =	vadd.f32 v10, v3;
	[tilespmem:s14+$0xFFFFBFA0] =	vst v17;
	v17 =	vadd.f32 v10, v2  }
0x43: {  	v20 =	vadd.f32 v10, v4;
	v21 =	vadd.f32 v10, v1;
	[tilespmem:s14+$0xFFFFFFA0] =	vst v11  }
0x44: {  	v9 =	vadd.f32 v6, v2;
	v10 =	vadd.f32 v6, v3;
	[tilespmem:s14+$0xFFFF3FB0] =	vst v7  }
0x45: {  	v7 =	vadd.f32 v6, v4;
	v6 =	vadd.f32 v6, v1;
	[tilespmem:s14+$0xFFFF7FB0] =	vst v14  }
0x46: {  	v22 =	vadd.f32 v8, v3;
	v14 =	vadd.f32 v8, v2;
	[tilespmem:s14+$0xFFFF3F90] =	vst v9  }
0x47: {  	v23 =	vadd.f32 v8, v4;
	v24 =	vadd.f32 v8, v1;
	[tilespmem:s14+$0xFFFF7F90] =	vst v10  }
0x48: {  	v25 =	vadd.f32 v13, v2;
	v26 =	vadd.f32 v13, v3;
	[tilespmem:s14+$0xFFFFBF90] =	vst v7  }
0x49: {  	v27 =	vadd.f32 v13, v4;
	v13 =	vadd.f32 v13, v1;
	[tilespmem:s14+$0xFFFFFF90] =	vst v6  }
0x4a: {  	v11 =	vadd.f32 v16, v2;
	v9 =	vadd.f32 v16, v3;
	[tilespmem:s14+$0xFFFFBFB0] =	vst v15  }
0x4b: {  	v8 =	vadd.f32 v16, v1;
	v10 =	vadd.f32 v16, v4;
	[tilespmem:s14+$0xFFFFFFB0] =	vst v18  }
0x4c: {  	v7 =	vadd.f32 v12, v3;
	v6 =	vadd.f32 v12, v4;
	[tilespmem:s14+$0xFFFF3FC0] =	vst v17  }
0x4d: {  	[tilespmem:s14+$0xFFFF7FC0] =	vst v19  }
0x4e: {  	[tilespmem:s14+$0xFFFFBFC0] =	vst v20  }
0x4f: {  	[tilespmem:s14+$0xFFFFFFC0] =	vst v21  }
0x50: {  	[tilespmem:s14+$0xFFFF3FD0] =	vst v14  }
0x51: {  	[tilespmem:s14+$0xFFFF7FD0] =	vst v22  }
0x52: {  	[tilespmem:s14+$0xFFFFBFD0] =	vst v23  }
.Ltmp0:
0x53: {  	[tilespmem:s14+$0xFFFFFFD0] =	vst v24;
	(pc) =	sbr.rel @p1 .LBB2_3-.Ltmp0, $4  }
0x54: {  	[tilespmem:s14+$0xFFFF3FE0] =	vst v25  }
0x55: {  	[tilespmem:s14+$0xFFFF7FE0] =	vst v26  }
0x56: {  	[tilespmem:s14+$0xFFFFBFE0] =	vst v27  }
0x57: {  	s16 =	sadd.s32 $0x80, s16;
	[tilespmem:s14+$0xFFFFFFE0] =	vst v13  }
0x58: {  	[tilespmem:s14+$0xFFFF3FF0] =	vst v11  }
0x59: {  	[tilespmem:s14+$0xFFFF7FF0] =	vst v9  }
0x5a: {  	[tilespmem:s14+$0xFFFFBFF0] =	vst v10  }
0x5b: {  	[tilespmem:s14+$0xFFFFFFF0] =	vst v8;
	s13 =	sadd.s32 s4, s13  }
0x5c: {  	[tilespmem:s14+$0xFFFF4000] =	vst v5;
	s13 =	sshll.u32 s13, $0x9  }
0x5d: {  	[tilespmem:s14+$0xFFFF8000] =	vst v7;
	s15 =	simm.s32 $0x1000;
	s13 =	sadd.s32 s3, s13  }
0x5e: {  	[tilespmem:s14+$0xFFFFC000] =	vst v6;
	s14 =	simm.s32 $0x10;
	s16 =	simm.s32 $0x1200;
	s17 =	sadd.s32 $0x0, s13  }
.LBB2_5:
0x5f: {  	[hbm4b:s17+s5] =	stream.linear.scatter [tilespmem:s15], [sflag:$0x1], $0x80, $0x38;
	[tilespmem:$0x11000] =	vst v63  }
0x60: {  	s17 =	smov.u32 s14;
	s15 =	smov.u32 s16;
	p1 =	sne.s32 s14, $0x7F0  }
.Ltmp1:
0x61: {  	s14 =	sadd.s32 $0x10, s14;
	(pc) =	sbr.rel @p1 .LBB2_5-.Ltmp1, $2  }
0x62: {  	_ =	sdelay $0x2  }
0x63: {  	s16 =	sadd.s32 $0x200, s16;
	s17 =	sadd.s32 s17, s13  }
0x64: {  	[hbm4b:s17+s5] =	stream.linear.scatter [tilespmem:s15], [sflag:$0x1], $0x80, $0x38;
	[tilespmem:$0x11000] =	vst v63  }
0x65: {  	s13 =	simm.s32 @!p0 $0x1  }
0x66: {  	_ =	swait.ge @!p0 [sflag:s13], $0x4000  }
0x67: {  	[sflag:s13] =	ssyncset.done @!p0 $0x0  }
0x68: {  	[sflag:s13] =	ssyncadd.s32 @!p0 $0xFFFFC000  }
0x69: {  	v1 =	vld [tilespmem:s12+$0x0];
	_ =	sdelay $0x4  }
0x6a: {  	(v2sf) =	vpush v1, $0x4  }
0x6b: {  	(v2sf) =	vpush v1, $0x5  }
0x6c: {  	(v2sf) =	vpush v1, $0x6  }
0x6d: {  	(v2sf) =	vpush v1, $0x7;
	_ =	sdelay $0x9  }
0x6e: {  	s29 =	simm.s32 $0x40  }
0x6f: {  	v5 =	vld [tilespmem:s29+$0xFFFFFFD0]  }
0x70: {  	s28 =	spop (v2sf)  }
0x71: {  	v7 =	vld [tilespmem:s29+$0xFFFFFFE0];
	s14 =	spop (v2sf);
	s13 =	sadd.f32 $1.000000000e+00, s28  }
0x72: {  	v6 =	vld [tilespmem:s29+$0x30];
	s16 =	spop (v2sf);
	s14 =	sadd.f32 $1.000000000e+00, s14  }
0x73: {  	v11 =	vld [tilespmem:s29+$0xFFFFFFC0];
	s30 =	spop (v2sf);
	v2 =	vmov s13  }
0x74: {  	s17 =	sadd.f32 $1.000000000e+00, s30;
	v3 =	vmov s14;
	v9 =	vadd.f32 v5, v2  }
0x75: {  	s14 =	simm.s32 $0xD0F0;
	v10 =	vadd.f32 v5, v3  }
0x76: {  	s31 =	sadd.f32 $1.000000000e+00, s16;
	v1 =	vmov s17;
	[tilespmem:s14+$0xFFFF3FA0] =	vst v9;
	v9 =	vadd.f32 v7, v2  }
0x77: {  	v8 =	vadd.f32 v6, v1;
	[tilespmem:s14+$0xFFFF7FA0] =	vst v10  }
0x78: {  	v4 =	vmov s31;
	v10 =	vadd.f32 v11, v3;
	[tilespmem:s14+$0xFFFF3FB0] =	vst v9  }
0x79: {  	[tilespmem:s14+$0x0] =	vst v8;
	v8 =	vadd.f32 v5, v4  }
0x7a: {  	v5 =	vadd.f32 v5, v1;
	[tilespmem:s14+$0xFFFF7F90] =	vst v10  }
0x7b: {  	v10 =	vadd.f32 v7, v4;
	[tilespmem:s14+$0xFFFFBFA0] =	vst v8  }
0x7c: {  	v9 =	vld [tilespmem:s29+$0xFFFFFFF0];
	v8 =	vadd.f32 v7, v3;
	[tilespmem:s14+$0xFFFFFFA0] =	vst v5  }
0x7d: {  	v5 =	vadd.f32 v11, v2;
	[tilespmem:s14+$0xFFFFBFB0] =	vst v10  }
0x7e: {  	v7 =	vadd.f32 v7, v1;
	[tilespmem:s14+$0xFFFF7FB0] =	vst v8  }
0x7f: {  	v8 =	vadd.f32 v11, v4;
	[tilespmem:s14+$0xFFFF3F90] =	vst v5  }
0x80: {  	v5 =	vadd.f32 v11, v1;
	[tilespmem:s14+$0xFFFFFFB0] =	vst v7;
	v11 =	vld [tilespmem:s29+$0x10]  }
0x81: {  	v10 =	vadd.f32 v9, v3;
	[tilespmem:s14+$0xFFFFBF90] =	vst v8  }
0x82: {  	[tilespmem:s14+$0xFFFFFF90] =	vst v5;
	v5 =	vadd.f32 v9, v2  }
0x83: {  	v7 =	vadd.f32 v9, v4;
	v8 =	vld [tilespmem:s29+$0x0];
	[tilespmem:s14+$0xFFFF7FC0] =	vst v10  }
0x84: {  	[tilespmem:s14+$0xFFFF3FC0] =	vst v5;
	v5 =	vadd.f32 v9, v1  }
0x85: {  	[tilespmem:s14+$0xFFFFBFC0] =	vst v7;
	v10 =	vadd.f32 v11, v3  }
0x86: {  	v12 =	vld [tilespmem:s29+$0x20];
	v13 =	vadd.f32 v11, v4;
	[tilespmem:s14+$0xFFFFFFC0] =	vst v5  }
0x87: {  	v14 =	vadd.f32 v11, v1;
	[tilespmem:s14+$0xFFFF7FE0] =	vst v10  }
0x88: {  	v9 =	vadd.f32 v8, v2;
	[tilespmem:s14+$0xFFFFBFE0] =	vst v13  }
0x89: {  	v7 =	vadd.f32 v8, v3;
	[tilespmem:s14+$0xFFFFFFE0] =	vst v14  }
0x8a: {  	v5 =	vadd.f32 v8, v4;
	v8 =	vadd.f32 v8, v1;
	[tilespmem:s14+$0xFFFF3FD0] =	vst v9  }
0x8b: {  	v10 =	vadd.f32 v12, v4;
	[tilespmem:s14+$0xFFFF7FD0] =	vst v7;
	v7 =	vadd.f32 v11, v2  }
0x8c: {  	[tilespmem:s14+$0xFFFFBFD0] =	vst v5;
	v5 =	vadd.f32 v6, v2;
	v11 =	vadd.f32 v12, v2  }
0x8d: {  	[tilespmem:s14+$0xFFFFFFD0] =	vst v8;
	v9 =	vadd.f32 v12, v3;
	v8 =	vadd.f32 v12, v1  }
0x8e: {  	s15 =	simm.s32 $0xC0;
	s13 =	simm.s32 $0x0;
	[tilespmem:s14+$0xFFFF3FE0] =	vst v7;
	v7 =	vadd.f32 v6, v3;
	v6 =	vadd.f32 v6, v4  }
.LBB2_7:
0x8f: {  	v12 =	vld [tilespmem:s15+$0x30];
	s13 =	sadd.s32 $0x80, s13;
	[tilespmem:s14+$0xFFFF3FF0] =	vst v11  }
0x90: {  	v11 =	vld [tilespmem:s15+$0xFFFFFFD0];
	p1 =	slt.u32 s13, $0xF80;
	[tilespmem:s14+$0xFFFF7FF0] =	vst v9  }
0x91: {  	v9 =	vld [tilespmem:s15+$0xFFFFFFE0];
	[tilespmem:s14+$0xFFFFBFF0] =	vst v10  }
0x92: {  	v10 =	vld [tilespmem:s15+$0xFFFFFFF0];
	[tilespmem:s14+$0xFFFFFFF0] =	vst v8  }
0x93: {  	v8 =	vld [tilespmem:s15+$0x0];
	[tilespmem:s14+$0xFFFF4000] =	vst v5  }
0x94: {  	v13 =	vld [tilespmem:s15+$0x10];
	v5 =	vadd.f32 v12, v2;
	v14 =	vadd.f32 v12, v1;
	[tilespmem:s14+$0xFFFF8000] =	vst v7  }
0x95: {  	v7 =	vadd.f32 v11, v2;
	v15 =	vadd.f32 v11, v3;
	v16 =	vld [tilespmem:s15+$0x20];
	[tilespmem:s14+$0xFFFFC000] =	vst v6;
	s14 =	sadd.s32 $0x200, s14  }
0x96: {  	v17 =	vadd.f32 v11, v4;
	v11 =	vadd.f32 v11, v1;
	v6 =	vld [tilespmem:s15+$0xFFFFFFC0];
	[tilespmem:s14+$0x0] =	vst v14  }
0x97: {  	v14 =	vadd.f32 v9, v3;
	[tilespmem:s14+$0xFFFF3FA0] =	vst v7;
	v7 =	vadd.f32 v9, v2  }
0x98: {  	v18 =	vadd.f32 v9, v1;
	[tilespmem:s14+$0xFFFF7FA0] =	vst v15;
	v15 =	vadd.f32 v9, v4  }
0x99: {  	v19 =	vadd.f32 v10, v3;
	[tilespmem:s14+$0xFFFFBFA0] =	vst v17;
	v17 =	vadd.f32 v10, v2  }
0x9a: {  	v20 =	vadd.f32 v10, v4;
	v21 =	vadd.f32 v10, v1;
	[tilespmem:s14+$0xFFFFFFA0] =	vst v11  }
0x9b: {  	v9 =	vadd.f32 v6, v2;
	v10 =	vadd.f32 v6, v3;
	[tilespmem:s14+$0xFFFF3FB0] =	vst v7  }
0x9c: {  	v7 =	vadd.f32 v6, v4;
	v6 =	vadd.f32 v6, v1;
	[tilespmem:s14+$0xFFFF7FB0] =	vst v14  }
0x9d: {  	v22 =	vadd.f32 v8, v3;
	v14 =	vadd.f32 v8, v2;
	[tilespmem:s14+$0xFFFF3F90] =	vst v9  }
0x9e: {  	v23 =	vadd.f32 v8, v4;
	v24 =	vadd.f32 v8, v1;
	[tilespmem:s14+$0xFFFF7F90] =	vst v10  }
0x9f: {  	v25 =	vadd.f32 v13, v2;
	v26 =	vadd.f32 v13, v3;
	[tilespmem:s14+$0xFFFFBF90] =	vst v7  }
0xa0: {  	v27 =	vadd.f32 v13, v4;
	v13 =	vadd.f32 v13, v1;
	[tilespmem:s14+$0xFFFFFF90] =	vst v6  }
0xa1: {  	v11 =	vadd.f32 v16, v2;
	v9 =	vadd.f32 v16, v3;
	[tilespmem:s14+$0xFFFFBFB0] =	vst v15  }
0xa2: {  	v8 =	vadd.f32 v16, v1;
	v10 =	vadd.f32 v16, v4;
	[tilespmem:s14+$0xFFFFFFB0] =	vst v18  }
0xa3: {  	v7 =	vadd.f32 v12, v3;
	v6 =	vadd.f32 v12, v4;
	[tilespmem:s14+$0xFFFF3FC0] =	vst v17  }
0xa4: {  	[tilespmem:s14+$0xFFFF7FC0] =	vst v19  }
0xa5: {  	[tilespmem:s14+$0xFFFFBFC0] =	vst v20  }
0xa6: {  	[tilespmem:s14+$0xFFFFFFC0] =	vst v21  }
0xa7: {  	[tilespmem:s14+$0xFFFF3FD0] =	vst v14  }
0xa8: {  	[tilespmem:s14+$0xFFFF7FD0] =	vst v22  }
0xa9: {  	[tilespmem:s14+$0xFFFFBFD0] =	vst v23  }
.Ltmp2:
0xaa: {  	[tilespmem:s14+$0xFFFFFFD0] =	vst v24;
	(pc) =	sbr.rel @p1 .LBB2_7-.Ltmp2, $4  }
0xab: {  	[tilespmem:s14+$0xFFFF3FE0] =	vst v25  }
0xac: {  	[tilespmem:s14+$0xFFFF7FE0] =	vst v26  }
0xad: {  	[tilespmem:s14+$0xFFFFBFE0] =	vst v27  }
0xae: {  	s15 =	sadd.s32 $0x80, s15;
	[tilespmem:s14+$0xFFFFFFE0] =	vst v13  }
0xaf: {  	[tilespmem:s14+$0xFFFF3FF0] =	vst v11  }
0xb0: {  	[tilespmem:s14+$0xFFFF7FF0] =	vst v9  }
0xb1: {  	[tilespmem:s14+$0xFFFFBFF0] =	vst v10  }
0xb2: {  	[tilespmem:s14+$0xFFFFFFF0] =	vst v8;
	s13 =	sshll.u32 s12, $0x9  }
0xb3: {  	[tilespmem:s14+$0xFFFF4000] =	vst v5;
	s13 =	sadd.s32 s3, s13  }
0xb4: {  	[tilespmem:s14+$0xFFFF8000] =	vst v7;
	s16 =	simm.s32 $0x1080;
	s15 =	sadd.s32 $0x800, s13  }
0xb5: {  	[tilespmem:s14+$0xFFFFC000] =	vst v6;
	s14 =	simm.s32 $0x10;
	s17 =	simm.s32 $0x1280;
	s18 =	sadd.s32 $0x0, s15  }
.LBB2_9:
0xb6: {  	[hbm4b:s18+s5] =	stream.linear.scatter [tilespmem:s16], [sflag:$0x1], $0x80, $0x38;
	[tilespmem:$0x11000] =	vst v63  }
0xb7: {  	s18 =	smov.u32 s14;
	s16 =	smov.u32 s17;
	p1 =	sne.s32 s14, $0x7F0  }
.Ltmp3:
0xb8: {  	s14 =	sadd.s32 $0x10, s14;
	(pc) =	sbr.rel @p1 .LBB2_9-.Ltmp3, $2  }
0xb9: {  	_ =	sdelay $0x2  }
0xba: {  	s17 =	sadd.s32 $0x200, s17;
	s18 =	sadd.s32 s18, s15  }
0xbb: {  	[hbm4b:s18+s5] =	stream.linear.scatter [tilespmem:s16], [sflag:$0x1], $0x80, $0x38;
	[tilespmem:$0x11000] =	vst v63  }
0xbc: {  	s14 =	simm.s32 @!p0 $0x1  }
0xbd: {  	_ =	swait.ge @!p0 [sflag:s14], $0x4000  }
0xbe: {  	[sflag:s14] =	ssyncset.done @!p0 $0x0  }
0xbf: {  	[sflag:s14] =	ssyncadd.s32 @!p0 $0xFFFFC000  }
0xc0: {  	v1 =	vld [tilespmem:s12+$0x0];
	_ =	sdelay $0x4  }
0xc1: {  	(v2sf) =	vpush v1, $0x8  }
0xc2: {  	(v2sf) =	vpush v1, $0x9  }
0xc3: {  	(v2sf) =	vpush v1, $0xA  }
0xc4: {  	(v2sf) =	vpush v1, $0xB;
	_ =	sdelay $0x9  }
0xc5: {  	s30 =	simm.s32 $0x40  }
0xc6: {  	v5 =	vld [tilespmem:s30+$0xFFFFFFD0]  }
0xc7: {  	s29 =	spop (v2sf)  }
0xc8: {  	v7 =	vld [tilespmem:s30+$0xFFFFFFE0];
	s15 =	spop (v2sf);
	s14 =	sadd.f32 $1.000000000e+00, s29  }
0xc9: {  	v6 =	vld [tilespmem:s30+$0x30];
	s17 =	spop (v2sf);
	s15 =	sadd.f32 $1.000000000e+00, s15  }
0xca: {  	v11 =	vld [tilespmem:s30+$0xFFFFFFC0];
	s31 =	spop (v2sf);
	v2 =	vmov s14  }
0xcb: {  	s18 =	sadd.f32 $1.000000000e+00, s31;
	v3 =	vmov s15;
	v9 =	vadd.f32 v5, v2  }
0xcc: {  	s14 =	simm.s32 $0xD170;
	v10 =	vadd.f32 v5, v3  }
0xcd: {  	s17 =	sadd.f32 $1.000000000e+00, s17;
	v1 =	vmov s18;
	[tilespmem:s14+$0xFFFF3FA0] =	vst v9;
	v9 =	vadd.f32 v7, v2  }
0xce: {  	v8 =	vadd.f32 v6, v1;
	[tilespmem:s14+$0xFFFF7FA0] =	vst v10  }
0xcf: {  	v4 =	vmov s17;
	v10 =	vadd.f32 v11, v3;
	[tilespmem:s14+$0xFFFF3FB0] =	vst v9  }
0xd0: {  	[tilespmem:s14+$0x0] =	vst v8;
	v8 =	vadd.f32 v5, v4  }
0xd1: {  	v5 =	vadd.f32 v5, v1;
	[tilespmem:s14+$0xFFFF7F90] =	vst v10  }
0xd2: {  	v10 =	vadd.f32 v7, v4;
	[tilespmem:s14+$0xFFFFBFA0] =	vst v8  }
0xd3: {  	v9 =	vld [tilespmem:s30+$0xFFFFFFF0];
	v8 =	vadd.f32 v7, v3;
	[tilespmem:s14+$0xFFFFFFA0] =	vst v5  }
0xd4: {  	v5 =	vadd.f32 v11, v2;
	[tilespmem:s14+$0xFFFFBFB0] =	vst v10  }
0xd5: {  	v7 =	vadd.f32 v7, v1;
	[tilespmem:s14+$0xFFFF7FB0] =	vst v8  }
0xd6: {  	v8 =	vadd.f32 v11, v4;
	[tilespmem:s14+$0xFFFF3F90] =	vst v5  }
0xd7: {  	v5 =	vadd.f32 v11, v1;
	[tilespmem:s14+$0xFFFFFFB0] =	vst v7;
	v11 =	vld [tilespmem:s30+$0x10]  }
0xd8: {  	v10 =	vadd.f32 v9, v3;
	[tilespmem:s14+$0xFFFFBF90] =	vst v8  }
0xd9: {  	[tilespmem:s14+$0xFFFFFF90] =	vst v5;
	v5 =	vadd.f32 v9, v2  }
0xda: {  	v7 =	vadd.f32 v9, v4;
	v8 =	vld [tilespmem:s30+$0x0];
	[tilespmem:s14+$0xFFFF7FC0] =	vst v10  }
0xdb: {  	[tilespmem:s14+$0xFFFF3FC0] =	vst v5;
	v5 =	vadd.f32 v9, v1  }
0xdc: {  	[tilespmem:s14+$0xFFFFBFC0] =	vst v7;
	v10 =	vadd.f32 v11, v3  }
0xdd: {  	v12 =	vld [tilespmem:s30+$0x20];
	v13 =	vadd.f32 v11, v4;
	[tilespmem:s14+$0xFFFFFFC0] =	vst v5  }
0xde: {  	v14 =	vadd.f32 v11, v1;
	[tilespmem:s14+$0xFFFF7FE0] =	vst v10  }
0xdf: {  	v9 =	vadd.f32 v8, v2;
	[tilespmem:s14+$0xFFFFBFE0] =	vst v13  }
0xe0: {  	v7 =	vadd.f32 v8, v3;
	[tilespmem:s14+$0xFFFFFFE0] =	vst v14  }
0xe1: {  	v5 =	vadd.f32 v8, v4;
	v8 =	vadd.f32 v8, v1;
	[tilespmem:s14+$0xFFFF3FD0] =	vst v9  }
0xe2: {  	v10 =	vadd.f32 v12, v4;
	[tilespmem:s14+$0xFFFF7FD0] =	vst v7;
	v7 =	vadd.f32 v11, v2  }
0xe3: {  	[tilespmem:s14+$0xFFFFBFD0] =	vst v5;
	v5 =	vadd.f32 v6, v2;
	v11 =	vadd.f32 v12, v2  }
0xe4: {  	[tilespmem:s14+$0xFFFFFFD0] =	vst v8;
	v9 =	vadd.f32 v12, v3;
	v8 =	vadd.f32 v12, v1  }
0xe5: {  	s16 =	simm.s32 $0xC0;
	s15 =	simm.s32 $0x0;
	[tilespmem:s14+$0xFFFF3FE0] =	vst v7;
	v7 =	vadd.f32 v6, v3;
	v6 =	vadd.f32 v6, v4  }
.LBB2_11:
0xe6: {  	v12 =	vld [tilespmem:s16+$0x30];
	s15 =	sadd.s32 $0x80, s15;
	[tilespmem:s14+$0xFFFF3FF0] =	vst v11  }
0xe7: {  	v11 =	vld [tilespmem:s16+$0xFFFFFFD0];
	p1 =	slt.u32 s15, $0xF80;
	[tilespmem:s14+$0xFFFF7FF0] =	vst v9  }
0xe8: {  	v9 =	vld [tilespmem:s16+$0xFFFFFFE0];
	[tilespmem:s14+$0xFFFFBFF0] =	vst v10  }
0xe9: {  	v10 =	vld [tilespmem:s16+$0xFFFFFFF0];
	[tilespmem:s14+$0xFFFFFFF0] =	vst v8  }
0xea: {  	v8 =	vld [tilespmem:s16+$0x0];
	[tilespmem:s14+$0xFFFF4000] =	vst v5  }
0xeb: {  	v13 =	vld [tilespmem:s16+$0x10];
	v5 =	vadd.f32 v12, v2;
	v14 =	vadd.f32 v12, v1;
	[tilespmem:s14+$0xFFFF8000] =	vst v7  }
0xec: {  	v7 =	vadd.f32 v11, v2;
	v15 =	vadd.f32 v11, v3;
	v16 =	vld [tilespmem:s16+$0x20];
	[tilespmem:s14+$0xFFFFC000] =	vst v6;
	s14 =	sadd.s32 $0x200, s14  }
0xed: {  	v17 =	vadd.f32 v11, v4;
	v11 =	vadd.f32 v11, v1;
	v6 =	vld [tilespmem:s16+$0xFFFFFFC0];
	[tilespmem:s14+$0x0] =	vst v14  }
0xee: {  	v14 =	vadd.f32 v9, v3;
	[tilespmem:s14+$0xFFFF3FA0] =	vst v7;
	v7 =	vadd.f32 v9, v2  }
0xef: {  	v18 =	vadd.f32 v9, v1;
	[tilespmem:s14+$0xFFFF7FA0] =	vst v15;
	v15 =	vadd.f32 v9, v4  }
0xf0: {  	v19 =	vadd.f32 v10, v3;
	[tilespmem:s14+$0xFFFFBFA0] =	vst v17;
	v17 =	vadd.f32 v10, v2  }
0xf1: {  	v20 =	vadd.f32 v10, v4;
	v21 =	vadd.f32 v10, v1;
	[tilespmem:s14+$0xFFFFFFA0] =	vst v11  }
0xf2: {  	v9 =	vadd.f32 v6, v2;
	v10 =	vadd.f32 v6, v3;
	[tilespmem:s14+$0xFFFF3FB0] =	vst v7  }
0xf3: {  	v7 =	vadd.f32 v6, v4;
	v6 =	vadd.f32 v6, v1;
	[tilespmem:s14+$0xFFFF7FB0] =	vst v14  }
0xf4: {  	v22 =	vadd.f32 v8, v3;
	v14 =	vadd.f32 v8, v2;
	[tilespmem:s14+$0xFFFF3F90] =	vst v9  }
0xf5: {  	v23 =	vadd.f32 v8, v4;
	v24 =	vadd.f32 v8, v1;
	[tilespmem:s14+$0xFFFF7F90] =	vst v10  }
0xf6: {  	v25 =	vadd.f32 v13, v2;
	v26 =	vadd.f32 v13, v3;
	[tilespmem:s14+$0xFFFFBF90] =	vst v7  }
0xf7: {  	v27 =	vadd.f32 v13, v4;
	v13 =	vadd.f32 v13, v1;
	[tilespmem:s14+$0xFFFFFF90] =	vst v6  }
0xf8: {  	v11 =	vadd.f32 v16, v2;
	v9 =	vadd.f32 v16, v3;
	[tilespmem:s14+$0xFFFFBFB0] =	vst v15  }
0xf9: {  	v8 =	vadd.f32 v16, v1;
	v10 =	vadd.f32 v16, v4;
	[tilespmem:s14+$0xFFFFFFB0] =	vst v18  }
0xfa: {  	v7 =	vadd.f32 v12, v3;
	v6 =	vadd.f32 v12, v4;
	[tilespmem:s14+$0xFFFF3FC0] =	vst v17  }
0xfb: {  	[tilespmem:s14+$0xFFFF7FC0] =	vst v19  }
0xfc: {  	[tilespmem:s14+$0xFFFFBFC0] =	vst v20  }
0xfd: {  	[tilespmem:s14+$0xFFFFFFC0] =	vst v21  }
0xfe: {  	[tilespmem:s14+$0xFFFF3FD0] =	vst v14  }
0xff: {  	[tilespmem:s14+$0xFFFF7FD0] =	vst v22  }
0x100: {  	[tilespmem:s14+$0xFFFFBFD0] =	vst v23  }
.Ltmp4:
0x101: {  	[tilespmem:s14+$0xFFFFFFD0] =	vst v24;
	(pc) =	sbr.rel @p1 .LBB2_11-.Ltmp4, $4  }
0x102: {  	[tilespmem:s14+$0xFFFF3FE0] =	vst v25  }
0x103: {  	[tilespmem:s14+$0xFFFF7FE0] =	vst v26  }
0x104: {  	[tilespmem:s14+$0xFFFFBFE0] =	vst v27  }
0x105: {  	s16 =	sadd.s32 $0x80, s16;
	[tilespmem:s14+$0xFFFFFFE0] =	vst v13  }
0x106: {  	[tilespmem:s14+$0xFFFF3FF0] =	vst v11  }
0x107: {  	[tilespmem:s14+$0xFFFF7FF0] =	vst v9  }
0x108: {  	[tilespmem:s14+$0xFFFFBFF0] =	vst v10  }
0x109: {  	[tilespmem:s14+$0xFFFFFFF0] =	vst v8  }
0x10a: {  	[tilespmem:s14+$0xFFFF4000] =	vst v5;
	s15 =	sshll.u32 s11, $0xD  }
0x10b: {  	[tilespmem:s14+$0xFFFF8000] =	vst v7;
	s16 =	simm.s32 $0x1100;
	s15 =	sadd.s32 s15, s6  }
0x10c: {  	[tilespmem:s14+$0xFFFFC000] =	vst v6;
	s14 =	simm.s32 $0x10;
	s17 =	simm.s32 $0x1300;
	s18 =	sadd.s32 $0x0, s15  }
.LBB2_13:
0x10d: {  	[hbm4b:s18+s5] =	stream.linear.scatter [tilespmem:s16], [sflag:$0x1], $0x80, $0x38;
	[tilespmem:$0x11000] =	vst v63  }
0x10e: {  	s18 =	smov.u32 s14;
	s16 =	smov.u32 s17;
	p1 =	sne.s32 s14, $0x7F0  }
.Ltmp5:
0x10f: {  	s14 =	sadd.s32 $0x10, s14;
	(pc) =	sbr.rel @p1 .LBB2_13-.Ltmp5, $2  }
0x110: {  	_ =	sdelay $0x2  }
0x111: {  	s17 =	sadd.s32 $0x200, s17;
	s18 =	sadd.s32 s18, s15  }
0x112: {  	[hbm4b:s18+s5] =	stream.linear.scatter [tilespmem:s16], [sflag:$0x1], $0x80, $0x38;
	[tilespmem:$0x11000] =	vst v63  }
0x113: {  	s14 =	simm.s32 @!p0 $0x1  }
0x114: {  	_ =	swait.ge @!p0 [sflag:s14], $0x4000  }
0x115: {  	[sflag:s14] =	ssyncset.done @!p0 $0x0  }
0x116: {  	[sflag:s14] =	ssyncadd.s32 @!p0 $0xFFFFC000  }
0x117: {  	v1 =	vld [tilespmem:s12+$0x0];
	_ =	sdelay $0x4  }
0x118: {  	(v2sf) =	vpush v1, $0xC  }
0x119: {  	(v2sf) =	vpush v1, $0xD  }
0x11a: {  	(v2sf) =	vpush v1, $0xE  }
0x11b: {  	(v2sf) =	vpush v1, $0xF;
	_ =	sdelay $0x9  }
0x11c: {  	s15 =	simm.s32 $0x40  }
0x11d: {  	v5 =	vld [tilespmem:s15+$0xFFFFFFD0]  }
0x11e: {  	s29 =	spop (v2sf)  }
0x11f: {  	v7 =	vld [tilespmem:s15+$0xFFFFFFE0];
	s30 =	spop (v2sf);
	s12 =	sadd.f32 $1.000000000e+00, s29  }
0x120: {  	v6 =	vld [tilespmem:s15+$0x30];
	s31 =	spop (v2sf);
	s14 =	sadd.f32 $1.000000000e+00, s30  }
0x121: {  	v11 =	vld [tilespmem:s15+$0xFFFFFFC0];
	s17 =	spop (v2sf);
	v2 =	vmov s12  }
0x122: {  	s17 =	sadd.f32 $1.000000000e+00, s17;
	v3 =	vmov s14;
	v9 =	vadd.f32 v5, v2  }
0x123: {  	s12 =	simm.s32 $0xD1F0;
	v10 =	vadd.f32 v5, v3  }
0x124: {  	s16 =	sadd.f32 $1.000000000e+00, s31;
	v1 =	vmov s17;
	[tilespmem:s12+$0xFFFF3FA0] =	vst v9;
	v9 =	vadd.f32 v7, v2  }
0x125: {  	v8 =	vadd.f32 v6, v1;
	[tilespmem:s12+$0xFFFF7FA0] =	vst v10  }
0x126: {  	v4 =	vmov s16;
	v10 =	vadd.f32 v11, v3;
	[tilespmem:s12+$0xFFFF3FB0] =	vst v9  }
0x127: {  	[tilespmem:s12+$0x0] =	vst v8;
	v8 =	vadd.f32 v5, v4  }
0x128: {  	v5 =	vadd.f32 v5, v1;
	[tilespmem:s12+$0xFFFF7F90] =	vst v10  }
0x129: {  	v10 =	vadd.f32 v7, v4;
	[tilespmem:s12+$0xFFFFBFA0] =	vst v8  }
0x12a: {  	v9 =	vld [tilespmem:s15+$0xFFFFFFF0];
	v8 =	vadd.f32 v7, v3;
	[tilespmem:s12+$0xFFFFFFA0] =	vst v5  }
0x12b: {  	v5 =	vadd.f32 v11, v2;
	[tilespmem:s12+$0xFFFFBFB0] =	vst v10  }
0x12c: {  	v7 =	vadd.f32 v7, v1;
	[tilespmem:s12+$0xFFFF7FB0] =	vst v8  }
0x12d: {  	v8 =	vadd.f32 v11, v4;
	[tilespmem:s12+$0xFFFF3F90] =	vst v5  }
0x12e: {  	v5 =	vadd.f32 v11, v1;
	[tilespmem:s12+$0xFFFFFFB0] =	vst v7;
	v11 =	vld [tilespmem:s15+$0x10]  }
0x12f: {  	v10 =	vadd.f32 v9, v3;
	[tilespmem:s12+$0xFFFFBF90] =	vst v8  }
0x130: {  	[tilespmem:s12+$0xFFFFFF90] =	vst v5;
	v5 =	vadd.f32 v9, v2  }
0x131: {  	v7 =	vadd.f32 v9, v4;
	v8 =	vld [tilespmem:s15+$0x0];
	[tilespmem:s12+$0xFFFF7FC0] =	vst v10  }
0x132: {  	[tilespmem:s12+$0xFFFF3FC0] =	vst v5;
	v5 =	vadd.f32 v9, v1  }
0x133: {  	[tilespmem:s12+$0xFFFFBFC0] =	vst v7;
	v10 =	vadd.f32 v11, v3  }
0x134: {  	v12 =	vld [tilespmem:s15+$0x20];
	v13 =	vadd.f32 v11, v4;
	[tilespmem:s12+$0xFFFFFFC0] =	vst v5  }
0x135: {  	v14 =	vadd.f32 v11, v1;
	[tilespmem:s12+$0xFFFF7FE0] =	vst v10  }
0x136: {  	v9 =	vadd.f32 v8, v2;
	[tilespmem:s12+$0xFFFFBFE0] =	vst v13  }
0x137: {  	v7 =	vadd.f32 v8, v3;
	[tilespmem:s12+$0xFFFFFFE0] =	vst v14  }
0x138: {  	v5 =	vadd.f32 v8, v4;
	v8 =	vadd.f32 v8, v1;
	[tilespmem:s12+$0xFFFF3FD0] =	vst v9  }
0x139: {  	v10 =	vadd.f32 v12, v4;
	[tilespmem:s12+$0xFFFF7FD0] =	vst v7;
	v7 =	vadd.f32 v11, v2  }
0x13a: {  	[tilespmem:s12+$0xFFFFBFD0] =	vst v5;
	v5 =	vadd.f32 v6, v2;
	v11 =	vadd.f32 v12, v2  }
0x13b: {  	[tilespmem:s12+$0xFFFFFFD0] =	vst v8;
	v9 =	vadd.f32 v12, v3;
	v8 =	vadd.f32 v12, v1  }
0x13c: {  	s14 =	simm.s32 $0x0;
	s15 =	simm.s32 $0xC0;
	[tilespmem:s12+$0xFFFF3FE0] =	vst v7;
	v7 =	vadd.f32 v6, v3;
	v6 =	vadd.f32 v6, v4  }
.LBB2_15:
0x13d: {  	v12 =	vld [tilespmem:s15+$0x30];
	s14 =	sadd.s32 $0x80, s14;
	[tilespmem:s12+$0xFFFF3FF0] =	vst v11  }
0x13e: {  	v11 =	vld [tilespmem:s15+$0xFFFFFFD0];
	p0 =	slt.u32 s14, $0xF80;
	[tilespmem:s12+$0xFFFF7FF0] =	vst v9  }
0x13f: {  	v9 =	vld [tilespmem:s15+$0xFFFFFFE0];
	[tilespmem:s12+$0xFFFFBFF0] =	vst v10  }
0x140: {  	v10 =	vld [tilespmem:s15+$0xFFFFFFF0];
	[tilespmem:s12+$0xFFFFFFF0] =	vst v8  }
0x141: {  	v8 =	vld [tilespmem:s15+$0x0];
	[tilespmem:s12+$0xFFFF4000] =	vst v5  }
0x142: {  	v13 =	vld [tilespmem:s15+$0x10];
	v5 =	vadd.f32 v12, v2;
	v14 =	vadd.f32 v12, v1;
	[tilespmem:s12+$0xFFFF8000] =	vst v7  }
0x143: {  	v7 =	vadd.f32 v11, v2;
	v15 =	vadd.f32 v11, v3;
	v16 =	vld [tilespmem:s15+$0x20];
	[tilespmem:s12+$0xFFFFC000] =	vst v6;
	s12 =	sadd.s32 $0x200, s12  }
0x144: {  	v17 =	vadd.f32 v11, v4;
	v11 =	vadd.f32 v11, v1;
	v6 =	vld [tilespmem:s15+$0xFFFFFFC0];
	[tilespmem:s12+$0x0] =	vst v14  }
0x145: {  	v14 =	vadd.f32 v9, v3;
	[tilespmem:s12+$0xFFFF3FA0] =	vst v7;
	v7 =	vadd.f32 v9, v2  }
0x146: {  	v18 =	vadd.f32 v9, v1;
	[tilespmem:s12+$0xFFFF7FA0] =	vst v15;
	v15 =	vadd.f32 v9, v4  }
0x147: {  	v19 =	vadd.f32 v10, v3;
	[tilespmem:s12+$0xFFFFBFA0] =	vst v17;
	v17 =	vadd.f32 v10, v2  }
0x148: {  	v20 =	vadd.f32 v10, v4;
	v21 =	vadd.f32 v10, v1;
	[tilespmem:s12+$0xFFFFFFA0] =	vst v11  }
0x149: {  	v9 =	vadd.f32 v6, v2;
	v10 =	vadd.f32 v6, v3;
	[tilespmem:s12+$0xFFFF3FB0] =	vst v7  }
0x14a: {  	v7 =	vadd.f32 v6, v4;
	v6 =	vadd.f32 v6, v1;
	[tilespmem:s12+$0xFFFF7FB0] =	vst v14  }
0x14b: {  	v22 =	vadd.f32 v8, v3;
	v14 =	vadd.f32 v8, v2;
	[tilespmem:s12+$0xFFFF3F90] =	vst v9  }
0x14c: {  	v23 =	vadd.f32 v8, v4;
	v24 =	vadd.f32 v8, v1;
	[tilespmem:s12+$0xFFFF7F90] =	vst v10  }
0x14d: {  	v25 =	vadd.f32 v13, v2;
	v26 =	vadd.f32 v13, v3;
	[tilespmem:s12+$0xFFFFBF90] =	vst v7  }
0x14e: {  	v27 =	vadd.f32 v13, v4;
	v13 =	vadd.f32 v13, v1;
	[tilespmem:s12+$0xFFFFFF90] =	vst v6  }
0x14f: {  	v11 =	vadd.f32 v16, v2;
	v9 =	vadd.f32 v16, v3;
	[tilespmem:s12+$0xFFFFBFB0] =	vst v15  }
0x150: {  	v8 =	vadd.f32 v16, v1;
	v10 =	vadd.f32 v16, v4;
	[tilespmem:s12+$0xFFFFFFB0] =	vst v18  }
0x151: {  	v7 =	vadd.f32 v12, v3;
	v6 =	vadd.f32 v12, v4;
	[tilespmem:s12+$0xFFFF3FC0] =	vst v17  }
0x152: {  	[tilespmem:s12+$0xFFFF7FC0] =	vst v19  }
0x153: {  	[tilespmem:s12+$0xFFFFBFC0] =	vst v20  }
0x154: {  	[tilespmem:s12+$0xFFFFFFC0] =	vst v21  }
0x155: {  	[tilespmem:s12+$0xFFFF3FD0] =	vst v14  }
0x156: {  	[tilespmem:s12+$0xFFFF7FD0] =	vst v22  }
0x157: {  	[tilespmem:s12+$0xFFFFBFD0] =	vst v23  }
.Ltmp6:
0x158: {  	[tilespmem:s12+$0xFFFFFFD0] =	vst v24;
	(pc) =	sbr.rel @p0 .LBB2_15-.Ltmp6, $4  }
0x159: {  	[tilespmem:s12+$0xFFFF3FE0] =	vst v25  }
0x15a: {  	[tilespmem:s12+$0xFFFF7FE0] =	vst v26  }
0x15b: {  	[tilespmem:s12+$0xFFFFBFE0] =	vst v27  }
0x15c: {  	s15 =	sadd.s32 $0x80, s15;
	[tilespmem:s12+$0xFFFFFFE0] =	vst v13  }
0x15d: {  	[tilespmem:s12+$0xFFFF3FF0] =	vst v11  }
0x15e: {  	[tilespmem:s12+$0xFFFF7FF0] =	vst v9  }
0x15f: {  	[tilespmem:s12+$0xFFFFBFF0] =	vst v10  }
0x160: {  	[tilespmem:s12+$0xFFFFFFF0] =	vst v8  }
0x161: {  	[tilespmem:s12+$0xFFFF4000] =	vst v5  }
0x162: {  	[tilespmem:s12+$0xFFFF8000] =	vst v7;
	s13 =	sadd.s32 $0x1800, s13;
	s14 =	simm.s32 $0x1180  }
0x163: {  	[tilespmem:s12+$0xFFFFC000] =	vst v6;
	s12 =	simm.s32 $0x10;
	s15 =	simm.s32 $0x1380;
	s16 =	sadd.s32 $0x0, s13  }
.LBB2_17:
0x164: {  	[hbm4b:s16+s5] =	stream.linear.scatter [tilespmem:s14], [sflag:$0x1], $0x80, $0x38;
	[tilespmem:$0x11000] =	vst v63  }
0x165: {  	s16 =	smov.u32 s12;
	s14 =	smov.u32 s15;
	p0 =	sne.s32 s12, $0x7F0  }
.Ltmp7:
0x166: {  	s12 =	sadd.s32 $0x10, s12;
	(pc) =	sbr.rel @p0 .LBB2_17-.Ltmp7, $2  }
0x167: {  	_ =	sdelay $0x2  }
0x168: {  	s15 =	sadd.s32 $0x200, s15;
	s16 =	sadd.s32 s16, s13  }
0x169: {  	s11 =	sadd.s32 $0x1, s11  }
0x16a: {  	p0 =	sne.s32 s11, $0x8  }
.Ltmp8:
0x16b: {  	_ = 	snop;
	(pc) =	sbr.rel @p0 .LBB2_2-.Ltmp8, $2  }
0x16c: {  	_ =	sdelay $0x2  }
0x16d: {  	[hbm4b:s16+s5] =	stream.linear.scatter [tilespmem:s14], [sflag:$0x1], $0x80, $0x38;
	[tilespmem:$0x11000] =	vst v63  }
0x16e: {  	_ =	swait.ge [sflag:s9], $0x4000  }
0x16f: {  	[sflag:s9] =	ssyncset.done $0x0  }
0x170: {  	[sflag:s9] =	ssyncadd.s32 $0xFFFFC000  }
0x171: {  	_ =	swait.ge [sflag:s9], $0x4000  }
0x172: {  	[sflag:s9] =	ssyncset.done $0x0  }
0x173: {  	s10 =	sadd.s32 $0x1, s10;
	[sflag:s9] =	ssyncadd.s32 $0xFFFFC000  }
0x174: {  	p0 =	sne.s32 s10, s7;
	_ =	swait.ge [sflag:s9], $0x4000  }
.Ltmp9:
0x175: {  	[sflag:s9] =	ssyncset.done $0x0;
	(pc) =	sbr.rel @p0 .LBB2_1-.Ltmp9, $4  }
0x176: {  	[sflag:s9] =	ssyncadd.s32 $0xFFFFC000  }
0x177: {  	_ =	swait.ge [sflag:s9], $0x4000  }
0x178: {  	[sflag:s9] =	ssyncset.done $0x0  }
0x179: {  	[sflag:s9] =	ssyncadd.s32 $0xFFFFC000  }
0x17a: {  	_ =	sfence.sel $0x180000  }
0x17b: {  	[bflag:$0x0] =	sbarrier.arrive $0xFFFF  }
0x17c: {  	p0 =	sne.s32 s0, $0x0;
	_ =	strace $0x90000047  }
0x17d: {  	s0 =	sadd.s32 @!p0 $0x100000, s1;
	[bflag:$0x2] =	sbarrier.arrive $0xFFFF  }
0x17e: {  	[sflag:s0] =	ssyncadd.tile.s32 @!p0 $0x1;
	_ =	shalt  }
.Lfunc_end2:
_tile_overlayer_lowered:
.L_overlay_start_2:
0x17f: {  	(tag) =	ssettag $0x2  }
0x180: {  	s0 =	rddreg [dreg:$0x0];
	s2 =	stileid.u32  }
0x181: {  	s1 =	rddreg [dreg:$0x1];
	p0 =	sne.s32 s2, $0x0  }
0x182: {  	s3 =	rddreg [dreg:$0x2];
	[bflag:$0x3] =	sbarrier.arrive $0xFFFF;
	s2 =	simm.s32 @!p0 $0x1C02  }
0x183: {  	[timem:s3], [sflag:s2] =	dma.local @!p0 [hbm:s0], s1  }
0x184: {  	s0 =	simm.s32 @!p0 $0x2  }
0x185: {  	_ =	swait.ge @!p0 [sflag:s0], s1  }
0x186: {  	s1 =	ssub.s32 @!p0 $0x0, s1;
	[sflag:s0] =	ssyncset.done @!p0 $0x0  }
0x187: {  	[sflag:s0] =	ssyncadd.s32 @!p0 s1  }
0x188: {  	[bflag:$0x3] =	sbarrier.arrive $0xFFFF  }
0x189: {  	_ =	shalt  }

</sc_bundles>
